<compile_context>
chip_gen: v7x
topology: tpu7x:2x2x1
jax: 0.10.2.dev20260603
libtpu: 0.0.44.dev20260713+nightly
codegen_flags: <defaults>
</compile_context>

<pallas_src>
import functools

import jax
import jax.numpy as jnp
from jax import lax
from jax.experimental import pallas as pl
from jax.experimental.pallas import tpu as pltpu
from jax.experimental.pallas import tpu_sc as plsc

B = 8
H = 512
W = 512
CH = 96
NPIX = B * H * W
NUM_CORES = 2
NUM_SUBCORES = 16
NW = NUM_CORES * NUM_SUBCORES
PIX_PER_W = NPIX // NW
CHUNK = 64
NCHUNKS = PIX_PER_W // CHUNK
STEP = 2.0 / 511.0
LANES = 16


def _rne_bf16(x):
    u = lax.bitcast_convert_type(x, jnp.uint32)
    r = (u + jnp.uint32(32767) + ((u >> 16) & jnp.uint32(1))) & jnp.uint32(0xFFFF0000)
    return lax.bitcast_convert_type(r, jnp.float32)


def _compute_chunk_indices(theta_s, bimg, hrow, w0, xg_v, yg_v,
                           ia_v, ib_v, ic_v, id_v, wts_v):
    t00, t01, t02, t10, t11, t12 = theta_s
    yy = yg_v[hrow, :]
    rb = bimg * (H * W)
    wacc = jnp.zeros((LANES,), jnp.float32)
    for j in range(CHUNK // LANES):
        xx = xg_v[w0 // LANES + j, :]
        xt = t00 * xx + t01 * yy + t02
        yt = t10 * xx + t11 * yy + t12
        xf = (xt + 1.0) * (0.5 * W)
        yf = (yt + 1.0) * (0.5 * H)
        xfc = jnp.clip(xf, -4.0, 4.0 + W)
        yfc = jnp.clip(yf, -4.0, 4.0 + H)
        xi = xfc.astype(jnp.int32)
        yi = yfc.astype(jnp.int32)
        x0 = jnp.where(xi.astype(jnp.float32) > xfc, xi - 1, xi)
        y0 = jnp.where(yi.astype(jnp.float32) > yfc, yi - 1, yi)
        x0c = jnp.clip(x0, 0, W - 1)
        x1c = jnp.clip(x0 + 1, 0, W - 1)
        y0c = jnp.clip(y0, 0, H - 1)
        y1c = jnp.clip(y0 + 1, 0, H - 1)
        xcl = jnp.clip(xfc, 0.0, float(W - 1))
        ycl = jnp.clip(yfc, 0.0, float(H - 1))
        wx0 = x1c.astype(jnp.float32) - xcl
        wx1 = xcl - x0c.astype(jnp.float32)
        wy0 = y1c.astype(jnp.float32) - ycl
        wy1 = ycl - y0c.astype(jnp.float32)
        sl = pl.ds(j * LANES, LANES)
        r0 = rb + y0c * W
        r1 = rb + y1c * W
        ia_v[sl] = r0 + x0c
        ib_v[sl] = r1 + x0c
        ic_v[sl] = r0 + x1c
        id_v[sl] = r1 + x1c
        wa = wx0 * wy0
        wb = wx0 * wy1
        wc = wx1 * wy0
        wd = wx1 * wy1
        wts_v[0, sl] = wa
        wts_v[1, sl] = wb
        wts_v[2, sl] = wc
        wts_v[3, sl] = wd
        wacc = wacc + ((wa + wb) + (wc + wd))
    cnt = plsc.all_reduce_population_count(wacc > 0.0)
    return cnt[0] > 0


@functools.partial(
    pl.kernel,
    mesh=plsc.VectorSubcoreMesh(core_axis_name="c", subcore_axis_name="s"),
    compiler_params=pltpu.CompilerParams(use_tc_tiling_on_sc=False,
                                         needs_layout_passes=False),
    out_type=jax.ShapeDtypeStruct((NPIX, CH), jnp.float32),
    scratch_types=[
        pltpu.VMEM((8, 16), jnp.float32),
        pltpu.VMEM((W // 16, 16), jnp.float32),
        pltpu.VMEM((H, 16), jnp.float32),
        pltpu.VMEM((CHUNK,), jnp.int32),
        pltpu.VMEM((CHUNK,), jnp.int32),
        pltpu.VMEM((CHUNK,), jnp.int32),
        pltpu.VMEM((CHUNK,), jnp.int32),
        pltpu.VMEM((4, CHUNK + 16), jnp.float32),
        pltpu.VMEM((CHUNK, CH), jnp.float32),
        pltpu.VMEM((CHUNK, CH), jnp.float32),
        pltpu.VMEM((CHUNK, CH), jnp.float32),
        pltpu.VMEM((CHUNK, CH), jnp.float32),
        pltpu.VMEM((CHUNK, CH), jnp.float32),
        pltpu.VMEM((CHUNK, CH), jnp.float32),
        pltpu.SemaphoreType.DMA,
    ],
)
def _bilinear_sc(tbl_hbm, theta_hbm, xg_hbm, yg_hbm, out_hbm,
                 theta_v, xg_v, yg_v, ia_v, ib_v, ic_v, id_v, wts_v,
                 ga, gb, gc, gd, obuf, zbuf, gsem):
    wid = lax.axis_index("s") * NUM_CORES + lax.axis_index("c")
    pltpu.sync_copy(theta_hbm, theta_v)
    pltpu.sync_copy(xg_hbm, xg_v)
    pltpu.sync_copy(yg_hbm, yg_v)

    def zero_body(c, _):
        for v in range(CH // LANES):
            zbuf[c, pl.ds(v * LANES, LANES)] = jnp.zeros((LANES,), jnp.float32)
        return 0

    lax.fori_loop(0, CHUNK, zero_body, 0)
    base_pix = wid * PIX_PER_W
    bimg = base_pix // (H * W)
    tv = theta_v[bimg, :]
    theta_s = (tv[0], tv[1], tv[2], tv[3], tv[4], tv[5])

    def chunk_body(k, carry):
        pix0 = base_pix + k * CHUNK
        hrow = (pix0 // W) % H
        w0 = pix0 % W
        nonzero = _compute_chunk_indices(theta_s, bimg, hrow, w0, xg_v, yg_v,
                                         ia_v, ib_v, ic_v, id_v, wts_v)

        @pl.when(nonzero)
        def _():
            cpa = pltpu.async_copy(tbl_hbm.at[ia_v], ga, gsem)
            cpb = pltpu.async_copy(tbl_hbm.at[ib_v], gb, gsem)
            cpc = pltpu.async_copy(tbl_hbm.at[ic_v], gc, gsem)
            cpd = pltpu.async_copy(tbl_hbm.at[id_v], gd, gsem)
            cpa.wait()
            cpb.wait()
            cpc.wait()
            cpd.wait()

            def px_body(c, _):
                wa = wts_v[0, pl.ds(c, LANES)][0]
                wb = wts_v[1, pl.ds(c, LANES)][0]
                wc = wts_v[2, pl.ds(c, LANES)][0]
                wd = wts_v[3, pl.ds(c, LANES)][0]
                for v in range(CH // LANES):
                    sl = pl.ds(v * LANES, LANES)
                    obuf[c, sl] = (wa * ga[c, sl] + wb * gb[c, sl]
                                   + wc * gc[c, sl] + wd * gd[c, sl])
                return 0

            lax.fori_loop(0, CHUNK, px_body, 0)
            pltpu.sync_copy(obuf, out_hbm.at[pl.ds(pix0, CHUNK)])

        @pl.when(jnp.logical_not(nonzero))
        def _():
            pltpu.sync_copy(zbuf, out_hbm.at[pl.ds(pix0, CHUNK)])

        return 0

    lax.fori_loop(0, NCHUNKS, chunk_body, 0)


def kernel(images, theta):
    tbl = images.reshape(NPIX, CH)
    th6 = _rne_bf16(theta.reshape(B, 6))
    th = jnp.zeros((B, 16), jnp.float32).at[:, :6].set(th6)
    grid = (jnp.arange(W, dtype=jnp.float32) * jnp.float32(STEP) - 1.0)
    grid = _rne_bf16(grid)
    xg = grid.reshape(W // 16, 16)
    yg = jnp.broadcast_to(grid[:, None], (H, 16))
    out = _bilinear_sc(tbl, th, xg, yg)
    return out.reshape(B, H, W, CH)

# --- scband reference (transcript-rebuilt; emitter-appended) ---
"""Pipeline reference for scband-bilinear-interpolation-45414984187978 (READ-ONLY COPY).

The authoritative reference and input builder live on the scoring server;
editing this copy changes nothing except your own understanding.
"""

import jax, jax.numpy as jnp
import numpy as np

HEIGHT = 512
WIDTH = 512


def setup_inputs(seed: int = 0) -> dict:
    key = jax.random.key(seed)
    k1, k2 = jax.random.split(key)
    images = jax.random.normal(k1, (8, 512, 512, 96), dtype=jnp.float32)
    theta = jax.random.normal(k2, (8, 2, 3), dtype=jnp.float32)
    return {"images": images, "theta": theta}


def reference(images, theta):
    B = images.shape[0]
    x = jnp.linspace(-1.0, 1.0, WIDTH)
    y = jnp.linspace(-1.0, 1.0, HEIGHT)
    xx, yy = jnp.meshgrid(x, y)
    xx = xx.reshape(-1)
    yy = yy.reshape(-1)
    hom = jnp.stack([xx, yy, jnp.ones_like(xx)])  # [3, H*W]
    hom = jnp.tile(hom[None, :, :], (B, 1, 1)).astype(jnp.float32)
    transformed = jnp.matmul(theta, hom)  # [B, 2, H*W]
    transformed = jnp.transpose(transformed, (0, 2, 1)).reshape(-1, HEIGHT, WIDTH, 2)
    x_t = transformed[:, :, :, 0]
    y_t = transformed[:, :, :, 1]
    xf = (x_t + 1.0) * jnp.float32(WIDTH) * 0.5
    yf = (y_t + 1.0) * jnp.float32(HEIGHT) * 0.5
    x0 = jnp.floor(xf).astype(jnp.int32)
    x1 = x0 + 1
    y0 = jnp.floor(yf).astype(jnp.int32)
    y1 = y0 + 1
    x0 = jnp.clip(x0, 0, WIDTH - 1)
    x1 = jnp.clip(x1, 0, WIDTH - 1)
    y0 = jnp.clip(y0, 0, HEIGHT - 1)
    y1 = jnp.clip(y1, 0, HEIGHT - 1)
    xf = jnp.clip(xf, 0.0, jnp.float32(WIDTH) - 1.0)
    yf = jnp.clip(yf, 0.0, jnp.float32(HEIGHT) - 1.0)
    b = jnp.broadcast_to(jnp.arange(B).reshape(B, 1, 1), (B, HEIGHT, WIDTH))
    # advance_indexing(images, x, y) stacks [b, y, x]
    Ia = images[b, y0, x0]
    Ib = images[b, y1, x0]
    Ic = images[b, y0, x1]
    Id = images[b, y1, x1]
    x0f = x0.astype(jnp.float32)
    x1f = x1.astype(jnp.float32)
    y0f = y0.astype(jnp.float32)
    y1f = y1.astype(jnp.float32)
    wa = ((x1f - xf) * (y1f - yf))[..., None]
    wb = ((x1f - xf) * (yf - y0f))[..., None]
    wc = ((xf - x0f) * (y1f - yf))[..., None]
    wd = ((xf - x0f) * (yf - y0f))[..., None]
    return wa * Ia + wb * Ib + wc * Ic + wd * Id

if __name__ == "__main__":
    import jax
    _d = setup_inputs()
    print(jax.jit(kernel)(*tuple(_d.values())))

</pallas_src>

<mosaic_0001>
#map = affine_map<(d0, d1) -> (0, 0)>
module attributes {stable_mosaic.version = 14 : i64} {
  func.func @_bilinear_sc(%arg0: i32, %arg1: i32, %arg2: memref<2097152x96xf32, #tpu.memory_space<hbm>>, %arg3: memref<8x16xf32, #tpu.memory_space<hbm>>, %arg4: memref<32x16xf32, #tpu.memory_space<hbm>>, %arg5: memref<512x16xf32, #tpu.memory_space<hbm>>, %arg6: memref<2097152x96xf32, #tpu.memory_space<hbm>>, %arg7: memref<8x16xf32, #tpu.memory_space<vmem>>, %arg8: memref<32x16xf32, #tpu.memory_space<vmem>>, %arg9: memref<512x16xf32, #tpu.memory_space<vmem>>, %arg10: memref<64xi32, #tpu.memory_space<vmem>>, %arg11: memref<64xi32, #tpu.memory_space<vmem>>, %arg12: memref<64xi32, #tpu.memory_space<vmem>>, %arg13: memref<64xi32, #tpu.memory_space<vmem>>, %arg14: memref<4x80xf32, #tpu.memory_space<vmem>>, %arg15: memref<64x96xf32, #tpu.memory_space<vmem>>, %arg16: memref<64x96xf32, #tpu.memory_space<vmem>>, %arg17: memref<64x96xf32, #tpu.memory_space<vmem>>, %arg18: memref<64x96xf32, #tpu.memory_space<vmem>>, %arg19: memref<64x96xf32, #tpu.memory_space<vmem>>, %arg20: memref<64x96xf32, #tpu.memory_space<vmem>>, %arg21: memref<!tpu.dma_semaphore, #tpu.memory_space<semaphore_mem>>) attributes {dimension_semantics = [#tpu.dimension_semantics<core_parallel>, #tpu.dimension_semantics<subcore_parallel>], iteration_bounds = array<i64: 2, 16>, scalar_prefetch = 0 : i64, scratch_operands = 15 : i64, tpu.core_type = #tpu.core_type<sc_vector_subcore>, window_params = [{transform_indices = #map}, {transform_indices = #map}, {transform_indices = #map}, {transform_indices = #map}, {transform_indices = #map}]} {
    %mul3A = arith.constant 2 : i32
    %mul3A_0 = arith.muli %arg1, %mul3A : i32
    %add3A = arith.addi %mul3A_0, %arg0 : i32
    "tpu.region"() ({
      %run_scoped3A = tpu.sem_alloc : memref<!tpu.dma_semaphore, #tpu.memory_space<semaphore_mem>>
      tpu.enqueue_dma source(%arg3 : memref<8x16xf32, #tpu.memory_space<hbm>>) target(%arg7 : memref<8x16xf32, #tpu.memory_space<vmem>>) target_semaphore(%run_scoped3A : memref<!tpu.dma_semaphore, #tpu.memory_space<semaphore_mem>>)
      tpu.wait_dma2 semaphore(%run_scoped3A : memref<!tpu.dma_semaphore, #tpu.memory_space<semaphore_mem>>) src(%arg3 : memref<8x16xf32, #tpu.memory_space<hbm>>) dst(%arg7 : memref<8x16xf32, #tpu.memory_space<vmem>>)
      tpu.yield
    }) : () -> ()
    "tpu.region"() ({
      %run_scoped3A = tpu.sem_alloc : memref<!tpu.dma_semaphore, #tpu.memory_space<semaphore_mem>>
      tpu.enqueue_dma source(%arg4 : memref<32x16xf32, #tpu.memory_space<hbm>>) target(%arg8 : memref<32x16xf32, #tpu.memory_space<vmem>>) target_semaphore(%run_scoped3A : memref<!tpu.dma_semaphore, #tpu.memory_space<semaphore_mem>>)
      tpu.wait_dma2 semaphore(%run_scoped3A : memref<!tpu.dma_semaphore, #tpu.memory_space<semaphore_mem>>) src(%arg4 : memref<32x16xf32, #tpu.memory_space<hbm>>) dst(%arg8 : memref<32x16xf32, #tpu.memory_space<vmem>>)
      tpu.yield
    }) : () -> ()
    "tpu.region"() ({
      %run_scoped3A = tpu.sem_alloc : memref<!tpu.dma_semaphore, #tpu.memory_space<semaphore_mem>>
      tpu.enqueue_dma source(%arg5 : memref<512x16xf32, #tpu.memory_space<hbm>>) target(%arg9 : memref<512x16xf32, #tpu.memory_space<vmem>>) target_semaphore(%run_scoped3A : memref<!tpu.dma_semaphore, #tpu.memory_space<semaphore_mem>>)
      tpu.wait_dma2 semaphore(%run_scoped3A : memref<!tpu.dma_semaphore, #tpu.memory_space<semaphore_mem>>) src(%arg5 : memref<512x16xf32, #tpu.memory_space<hbm>>) dst(%arg9 : memref<512x16xf32, #tpu.memory_space<vmem>>)
      tpu.yield
    }) : () -> ()
    %scan3A = arith.constant 0 : i32
    %scan3A_1 = arith.constant 0 : i32
    %scan3A_2 = arith.constant 64 : i32
    %scan3A_3 = arith.addi %scan3A_1, %scan3A_2 : i32
    %scan3A_4 = arith.constant 1 : i32
    %scan3A_5 = scf.for %scan3A_44 = %scan3A_1 to %scan3A_3 step %scan3A_4 iter_args(%scan3A_45 = %scan3A) -> (i32)  : i32 {
      %broadcast_in_dim3A = arith.constant 0.000000e+00 : f32
      %broadcast_in_dim3A_46 = vector.broadcast %broadcast_in_dim3A : f32 to vector<16xf32>
      %swap3A = arith.index_cast %scan3A_44 : i32 to index
      %swap3A_47 = arith.constant 0 : index
      %swap3A_48 = tpu.vector_load %arg20[%swap3A, %swap3A_47] {strides = array<i32>} : memref<64x96xf32, #tpu.memory_space<vmem>>, vector<16xf32>,
      tpu.vector_store %arg20[%swap3A, %swap3A_47], %broadcast_in_dim3A_46 {strides = array<i32>} : memref<64x96xf32, #tpu.memory_space<vmem>>, vector<16xf32>,
      %broadcast_in_dim3A_49 = arith.constant 0.000000e+00 : f32
      %broadcast_in_dim3A_50 = vector.broadcast %broadcast_in_dim3A_49 : f32 to vector<16xf32>
      %swap3A_51 = arith.index_cast %scan3A_44 : i32 to index
      %swap3A_52 = arith.constant 16 : index
      %swap3A_53 = tpu.vector_load %arg20[%swap3A_51, %swap3A_52] {strides = array<i32>} : memref<64x96xf32, #tpu.memory_space<vmem>>, vector<16xf32>,
      tpu.vector_store %arg20[%swap3A_51, %swap3A_52], %broadcast_in_dim3A_50 {strides = array<i32>} : memref<64x96xf32, #tpu.memory_space<vmem>>, vector<16xf32>,
      %broadcast_in_dim3A_54 = arith.constant 0.000000e+00 : f32
      %broadcast_in_dim3A_55 = vector.broadcast %broadcast_in_dim3A_54 : f32 to vector<16xf32>
      %swap3A_56 = arith.index_cast %scan3A_44 : i32 to index
      %swap3A_57 = arith.constant 32 : index
      %swap3A_58 = tpu.vector_load %arg20[%swap3A_56, %swap3A_57] {strides = array<i32>} : memref<64x96xf32, #tpu.memory_space<vmem>>, vector<16xf32>,
      tpu.vector_store %arg20[%swap3A_56, %swap3A_57], %broadcast_in_dim3A_55 {strides = array<i32>} : memref<64x96xf32, #tpu.memory_space<vmem>>, vector<16xf32>,
      %broadcast_in_dim3A_59 = arith.constant 0.000000e+00 : f32
      %broadcast_in_dim3A_60 = vector.broadcast %broadcast_in_dim3A_59 : f32 to vector<16xf32>
      %swap3A_61 = arith.index_cast %scan3A_44 : i32 to index
      %swap3A_62 = arith.constant 48 : index
      %swap3A_63 = tpu.vector_load %arg20[%swap3A_61, %swap3A_62] {strides = array<i32>} : memref<64x96xf32, #tpu.memory_space<vmem>>, vector<16xf32>,
      tpu.vector_store %arg20[%swap3A_61, %swap3A_62], %broadcast_in_dim3A_60 {strides = array<i32>} : memref<64x96xf32, #tpu.memory_space<vmem>>, vector<16xf32>,
      %broadcast_in_dim3A_64 = arith.constant 0.000000e+00 : f32
      %broadcast_in_dim3A_65 = vector.broadcast %broadcast_in_dim3A_64 : f32 to vector<16xf32>
      %swap3A_66 = arith.index_cast %scan3A_44 : i32 to index
      %swap3A_67 = arith.constant 64 : index
      %swap3A_68 = tpu.vector_load %arg20[%swap3A_66, %swap3A_67] {strides = array<i32>} : memref<64x96xf32, #tpu.memory_space<vmem>>, vector<16xf32>,
      tpu.vector_store %arg20[%swap3A_66, %swap3A_67], %broadcast_in_dim3A_65 {strides = array<i32>} : memref<64x96xf32, #tpu.memory_space<vmem>>, vector<16xf32>,
      %broadcast_in_dim3A_69 = arith.constant 0.000000e+00 : f32
      %broadcast_in_dim3A_70 = vector.broadcast %broadcast_in_dim3A_69 : f32 to vector<16xf32>
      %swap3A_71 = arith.index_cast %scan3A_44 : i32 to index
      %swap3A_72 = arith.constant 80 : index
      %swap3A_73 = tpu.vector_load %arg20[%swap3A_71, %swap3A_72] {strides = array<i32>} : memref<64x96xf32, #tpu.memory_space<vmem>>, vector<16xf32>,
      tpu.vector_store %arg20[%swap3A_71, %swap3A_72], %broadcast_in_dim3A_70 {strides = array<i32>} : memref<64x96xf32, #tpu.memory_space<vmem>>, vector<16xf32>,
      %scan3A_74 = arith.constant 0 : i32
      scf.yield %scan3A_74 : i32
    }
    %scan3A_6 = arith.constant 64 : i32
    %mul3A_7 = arith.constant 65536 : i32
    %mul3A_8 = arith.muli %add3A, %mul3A_7 : i32
    %jit3A = arith.constant 262144 : i32
    %div3A = arith.divsi %mul3A_8, %jit3A : i32
    %sign3A = arith.constant 0 : i32
    %sign3A_9 = arith.cmpi sgt, %mul3A_8, %sign3A : i32
    %sign3A_10 = arith.extui %sign3A_9 : i1 to i32
    %sign3A_11 = arith.constant 0 : i32
    %sign3A_12 = arith.cmpi slt, %mul3A_8, %sign3A_11 : i32
    %sign3A_13 = arith.extui %sign3A_12 : i1 to i32
    %sign3A_14 = arith.subi %sign3A_10, %sign3A_13 : i32
    %sign3A_15 = arith.constant 0 : i32
    %sign3A_16 = arith.cmpi sgt, %jit3A, %sign3A_15 : i32
    %sign3A_17 = arith.extui %sign3A_16 : i1 to i32
    %sign3A_18 = arith.constant 0 : i32
    %sign3A_19 = arith.cmpi slt, %jit3A, %sign3A_18 : i32
    %sign3A_20 = arith.extui %sign3A_19 : i1 to i32
    %sign3A_21 = arith.subi %sign3A_17, %sign3A_20 : i32
    %ne3A = arith.cmpi ne, %sign3A_14, %sign3A_21 : i32
    %rem3A = arith.remsi %mul3A_8, %jit3A : i32
    %ne3A_22 = arith.constant 0 : i32
    %ne3A_23 = arith.cmpi ne, %rem3A, %ne3A_22 : i32
    %and3A = arith.andi %ne3A, %ne3A_23 : i1
    %sub3A = arith.constant 1 : i32
    %sub3A_24 = arith.subi %div3A, %sub3A : i32
    %select_n3A = arith.select %and3A, %sub3A_24, %div3A : i32
    %get3A = arith.index_cast %select_n3A : i32 to index
    %get3A_25 = arith.constant 0 : index
    %get3A_26 = tpu.vector_load %arg7[%get3A, %get3A_25] {strides = array<i32>} : memref<8x16xf32, #tpu.memory_space<vmem>>, vector<16xf32>,
    %slice3A = vector.extract_strided_slice %get3A_26 {offsets = [0], sizes = [1], strides = [1]} : vector<16xf32> to vector<1xf32>
    %squeeze3A = vector.extract %slice3A[0] : f32 from vector<1xf32>
    %slice3A_27 = vector.extract_strided_slice %get3A_26 {offsets = [1], sizes = [1], strides = [1]} : vector<16xf32> to vector<1xf32>
    %squeeze3A_28 = vector.extract %slice3A_27[0] : f32 from vector<1xf32>
    %slice3A_29 = vector.extract_strided_slice %get3A_26 {offsets = [2], sizes = [1], strides = [1]} : vector<16xf32> to vector<1xf32>
    %squeeze3A_30 = vector.extract %slice3A_29[0] : f32 from vector<1xf32>
    %slice3A_31 = vector.extract_strided_slice %get3A_26 {offsets = [3], sizes = [1], strides = [1]} : vector<16xf32> to vector<1xf32>
    %squeeze3A_32 = vector.extract %slice3A_31[0] : f32 from vector<1xf32>
    %slice3A_33 = vector.extract_strided_slice %get3A_26 {offsets = [4], sizes = [1], strides = [1]} : vector<16xf32> to vector<1xf32>
    %squeeze3A_34 = vector.extract %slice3A_33[0] : f32 from vector<1xf32>
    %slice3A_35 = vector.extract_strided_slice %get3A_26 {offsets = [5], sizes = [1], strides = [1]} : vector<16xf32> to vector<1xf32>
    %squeeze3A_36 = vector.extract %slice3A_35[0] : f32 from vector<1xf32>
    %scan3A_37 = arith.constant 0 : i32
    %scan3A_38 = arith.constant 0 : i32
    %scan3A_39 = arith.constant 1024 : i32
    %scan3A_40 = arith.addi %scan3A_38, %scan3A_39 : i32
    %scan3A_41 = arith.constant 1 : i32
    %scan3A_42 = scf.for %scan3A_44 = %scan3A_38 to %scan3A_40 step %scan3A_41 iter_args(%scan3A_45 = %scan3A_37) -> (i32)  : i32 {
      %mul3A_46 = arith.constant 64 : i32
      %mul3A_47 = arith.muli %scan3A_44, %mul3A_46 : i32
      %add3A_48 = arith.addi %mul3A_8, %mul3A_47 : i32
      %jit3A_49 = arith.constant 512 : i32
      %div3A_50 = arith.divsi %add3A_48, %jit3A_49 : i32
      %sign3A_51 = arith.constant 0 : i32
      %sign3A_52 = arith.cmpi sgt, %add3A_48, %sign3A_51 : i32
      %sign3A_53 = arith.extui %sign3A_52 : i1 to i32
      %sign3A_54 = arith.constant 0 : i32
      %sign3A_55 = arith.cmpi slt, %add3A_48, %sign3A_54 : i32
      %sign3A_56 = arith.extui %sign3A_55 : i1 to i32
      %sign3A_57 = arith.subi %sign3A_53, %sign3A_56 : i32
      %sign3A_58 = arith.constant 0 : i32
      %sign3A_59 = arith.cmpi sgt, %jit3A_49, %sign3A_58 : i32
      %sign3A_60 = arith.extui %sign3A_59 : i1 to i32
      %sign3A_61 = arith.constant 0 : i32
      %sign3A_62 = arith.cmpi slt, %jit3A_49, %sign3A_61 : i32
      %sign3A_63 = arith.extui %sign3A_62 : i1 to i32
      %sign3A_64 = arith.subi %sign3A_60, %sign3A_63 : i32
      %ne3A_65 = arith.cmpi ne, %sign3A_57, %sign3A_64 : i32
      %rem3A_66 = arith.remsi %add3A_48, %jit3A_49 : i32
      %ne3A_67 = arith.constant 0 : i32
      %ne3A_68 = arith.cmpi ne, %rem3A_66, %ne3A_67 : i32
      %and3A_69 = arith.andi %ne3A_65, %ne3A_68 : i1
      %sub3A_70 = arith.constant 1 : i32
      %sub3A_71 = arith.subi %div3A_50, %sub3A_70 : i32
      %select_n3A_72 = arith.select %and3A_69, %sub3A_71, %div3A_50 : i32
      %jit3A_73 = arith.constant 512 : i32
      %eq3A = arith.constant 0 : i32
      %eq3A_74 = arith.cmpi eq, %jit3A_73, %eq3A : i32
      %jit3A_75 = arith.constant 1 : i32
      %select_n3A_76 = arith.select %eq3A_74, %jit3A_75, %jit3A_73 : i32
      %rem3A_77 = arith.remsi %select_n3A_72, %select_n3A_76 : i32
      %ne3A_78 = arith.constant 0 : i32
      %ne3A_79 = arith.cmpi ne, %rem3A_77, %ne3A_78 : i32
      %lt3A = arith.constant 0 : i32
      %lt3A_80 = arith.cmpi slt, %rem3A_77, %lt3A : i32
      %lt3A_81 = arith.constant 0 : i32
      %lt3A_82 = arith.cmpi slt, %select_n3A_76, %lt3A_81 : i32
      %ne3A_83 = arith.xori %lt3A_80, %lt3A_82 : i1
      %and3A_84 = arith.andi %ne3A_83, %ne3A_79 : i1
      %add3A_85 = arith.addi %rem3A_77, %select_n3A_76 : i32
      %select_n3A_86 = arith.select %and3A_84, %add3A_85, %rem3A_77 : i32
      %jit3A_87 = arith.constant 512 : i32
      %eq3A_88 = arith.constant 0 : i32
      %eq3A_89 = arith.cmpi eq, %jit3A_87, %eq3A_88 : i32
      %jit3A_90 = arith.constant 1 : i32
      %select_n3A_91 = arith.select %eq3A_89, %jit3A_90, %jit3A_87 : i32
      %rem3A_92 = arith.remsi %add3A_48, %select_n3A_91 : i32
      %ne3A_93 = arith.constant 0 : i32
      %ne3A_94 = arith.cmpi ne, %rem3A_92, %ne3A_93 : i32
      %lt3A_95 = arith.constant 0 : i32
      %lt3A_96 = arith.cmpi slt, %rem3A_92, %lt3A_95 : i32
      %lt3A_97 = arith.constant 0 : i32
      %lt3A_98 = arith.cmpi slt, %select_n3A_91, %lt3A_97 : i32
      %ne3A_99 = arith.xori %lt3A_96, %lt3A_98 : i1
      %and3A_100 = arith.andi %ne3A_99, %ne3A_94 : i1
      %add3A_101 = arith.addi %rem3A_92, %select_n3A_91 : i32
      %select_n3A_102 = arith.select %and3A_100, %add3A_101, %rem3A_92 : i32
      %get3A_103 = arith.index_cast %select_n3A_86 : i32 to index
      %get3A_104 = arith.constant 0 : index
      %get3A_105 = tpu.vector_load %arg9[%get3A_103, %get3A_104] {strides = array<i32>} : memref<512x16xf32, #tpu.memory_space<vmem>>, vector<16xf32>,
      %mul3A_106 = arith.constant 262144 : i32
      %mul3A_107 = arith.muli %select_n3A, %mul3A_106 : i32
      %broadcast_in_dim3A = arith.constant 0.000000e+00 : f32
      %broadcast_in_dim3A_108 = vector.broadcast %broadcast_in_dim3A : f32 to vector<16xf32>
      %jit3A_109 = arith.constant 16 : i32
      %div3A_110 = arith.divsi %select_n3A_102, %jit3A_109 : i32
      %sign3A_111 = arith.constant 0 : i32
      %sign3A_112 = arith.cmpi sgt, %select_n3A_102, %sign3A_111 : i32
      %sign3A_113 = arith.extui %sign3A_112 : i1 to i32
      %sign3A_114 = arith.constant 0 : i32
      %sign3A_115 = arith.cmpi slt, %select_n3A_102, %sign3A_114 : i32
      %sign3A_116 = arith.extui %sign3A_115 : i1 to i32
      %sign3A_117 = arith.subi %sign3A_113, %sign3A_116 : i32
      %sign3A_118 = arith.constant 0 : i32
      %sign3A_119 = arith.cmpi sgt, %jit3A_109, %sign3A_118 : i32
      %sign3A_120 = arith.extui %sign3A_119 : i1 to i32
      %sign3A_121 = arith.constant 0 : i32
      %sign3A_122 = arith.cmpi slt, %jit3A_109, %sign3A_121 : i32
      %sign3A_123 = arith.extui %sign3A_122 : i1 to i32
      %sign3A_124 = arith.subi %sign3A_120, %sign3A_123 : i32
      %ne3A_125 = arith.cmpi ne, %sign3A_117, %sign3A_124 : i32
      %rem3A_126 = arith.remsi %select_n3A_102, %jit3A_109 : i32
      %ne3A_127 = arith.constant 0 : i32
      %ne3A_128 = arith.cmpi ne, %rem3A_126, %ne3A_127 : i32
      %and3A_129 = arith.andi %ne3A_125, %ne3A_128 : i1
      %sub3A_130 = arith.constant 1 : i32
      %sub3A_131 = arith.subi %div3A_110, %sub3A_130 : i32
      %select_n3A_132 = arith.select %and3A_129, %sub3A_131, %div3A_110 : i32
      %add3A_133 = arith.constant 0 : i32
      %add3A_134 = arith.addi %select_n3A_132, %add3A_133 : i32
      %get3A_135 = arith.index_cast %add3A_134 : i32 to index
      %get3A_136 = arith.constant 0 : index
      %get3A_137 = tpu.vector_load %arg8[%get3A_135, %get3A_136] {strides = array<i32>} : memref<32x16xf32, #tpu.memory_space<vmem>>, vector<16xf32>,
      %mul3A_138 = vector.broadcast %squeeze3A : f32 to vector<16xf32>
      %mul3A_139 = arith.mulf %mul3A_138, %get3A_137 : vector<16xf32>
      %mul3A_140 = vector.broadcast %squeeze3A_28 : f32 to vector<16xf32>
      %mul3A_141 = arith.mulf %mul3A_140, %get3A_105 : vector<16xf32>
      %add3A_142 = arith.addf %mul3A_139, %mul3A_141 : vector<16xf32>
      %add3A_143 = vector.broadcast %squeeze3A_30 : f32 to vector<16xf32>
      %add3A_144 = arith.addf %add3A_142, %add3A_143 : vector<16xf32>
      %mul3A_145 = vector.broadcast %squeeze3A_32 : f32 to vector<16xf32>
      %mul3A_146 = arith.mulf %mul3A_145, %get3A_137 : vector<16xf32>
      %mul3A_147 = vector.broadcast %squeeze3A_34 : f32 to vector<16xf32>
      %mul3A_148 = arith.mulf %mul3A_147, %get3A_105 : vector<16xf32>
      %add3A_149 = arith.addf %mul3A_146, %mul3A_148 : vector<16xf32>
      %add3A_150 = vector.broadcast %squeeze3A_36 : f32 to vector<16xf32>
      %add3A_151 = arith.addf %add3A_149, %add3A_150 : vector<16xf32>
      %add3A_152 = arith.constant 1.000000e+00 : f32
      %add3A_153 = vector.broadcast %add3A_152 : f32 to vector<16xf32>
      %add3A_154 = arith.addf %add3A_144, %add3A_153 : vector<16xf32>
      %mul3A_155 = arith.constant 2.560000e+02 : f32
      %mul3A_156 = vector.broadcast %mul3A_155 : f32 to vector<16xf32>
      %mul3A_157 = arith.mulf %add3A_154, %mul3A_156 : vector<16xf32>
      %add3A_158 = arith.constant 1.000000e+00 : f32
      %add3A_159 = vector.broadcast %add3A_158 : f32 to vector<16xf32>
      %add3A_160 = arith.addf %add3A_151, %add3A_159 : vector<16xf32>
      %mul3A_161 = arith.constant 2.560000e+02 : f32
      %mul3A_162 = vector.broadcast %mul3A_161 : f32 to vector<16xf32>
      %mul3A_163 = arith.mulf %add3A_160, %mul3A_162 : vector<16xf32>
      %jit3A_164 = arith.constant -4.000000e+00 : f32
      %jit3A_165 = arith.constant 5.160000e+02 : f32
      %max3A = vector.broadcast %jit3A_164 : f32 to vector<16xf32>
      %max3A_166 = arith.maximumf %max3A, %mul3A_157 : vector<16xf32>
      %min3A = vector.broadcast %jit3A_165 : f32 to vector<16xf32>
      %min3A_167 = arith.minimumf %min3A, %max3A_166 : vector<16xf32>
      %jit3A_168 = arith.constant -4.000000e+00 : f32
      %jit3A_169 = arith.constant 5.160000e+02 : f32
      %max3A_170 = vector.broadcast %jit3A_168 : f32 to vector<16xf32>
      %max3A_171 = arith.maximumf %max3A_170, %mul3A_163 : vector<16xf32>
      %min3A_172 = vector.broadcast %jit3A_169 : f32 to vector<16xf32>
      %min3A_173 = arith.minimumf %min3A_172, %max3A_171 : vector<16xf32>
      %convert_element_type3A = arith.fptosi %min3A_167 : vector<16xf32> to vector<16xi32>
      %convert_element_type3A_174 = arith.fptosi %min3A_173 : vector<16xf32> to vector<16xi32>
      %convert_element_type3A_175 = arith.sitofp %convert_element_type3A : vector<16xi32> to vector<16xf32>
      %gt3A = arith.cmpf ogt, %convert_element_type3A_175, %min3A_167 : vector<16xf32>
      %sub3A_176 = arith.constant 1 : i32
      %sub3A_177 = vector.broadcast %sub3A_176 : i32 to vector<16xi32>
      %sub3A_178 = arith.subi %convert_element_type3A, %sub3A_177 : vector<16xi32>
      %select_n3A_179 = arith.select %gt3A, %sub3A_178, %convert_element_type3A : vector<16xi1>, vector<16xi32>
      %convert_element_type3A_180 = arith.sitofp %convert_element_type3A_174 : vector<16xi32> to vector<16xf32>
      %gt3A_181 = arith.cmpf ogt, %convert_element_type3A_180, %min3A_173 : vector<16xf32>
      %sub3A_182 = arith.constant 1 : i32
      %sub3A_183 = vector.broadcast %sub3A_182 : i32 to vector<16xi32>
      %sub3A_184 = arith.subi %convert_element_type3A_174, %sub3A_183 : vector<16xi32>
      %select_n3A_185 = arith.select %gt3A_181, %sub3A_184, %convert_element_type3A_174 : vector<16xi1>, vector<16xi32>
      %jit3A_186 = arith.constant 0 : i32
      %jit3A_187 = arith.constant 511 : i32
      %max3A_188 = vector.broadcast %jit3A_186 : i32 to vector<16xi32>
      %max3A_189 = arith.maxsi %max3A_188, %select_n3A_179 : vector<16xi32>
      %min3A_190 = vector.broadcast %jit3A_187 : i32 to vector<16xi32>
      %min3A_191 = arith.minsi %min3A_190, %max3A_189 : vector<16xi32>
      %add3A_192 = arith.constant 1 : i32
      %add3A_193 = vector.broadcast %add3A_192 : i32 to vector<16xi32>
      %add3A_194 = arith.addi %select_n3A_179, %add3A_193 : vector<16xi32>
      %jit3A_195 = arith.constant 0 : i32
      %jit3A_196 = arith.constant 511 : i32
      %max3A_197 = vector.broadcast %jit3A_195 : i32 to vector<16xi32>
      %max3A_198 = arith.maxsi %max3A_197, %add3A_194 : vector<16xi32>
      %min3A_199 = vector.broadcast %jit3A_196 : i32 to vector<16xi32>
      %min3A_200 = arith.minsi %min3A_199, %max3A_198 : vector<16xi32>
      %jit3A_201 = arith.constant 0 : i32
      %jit3A_202 = arith.constant 511 : i32
      %max3A_203 = vector.broadcast %jit3A_201 : i32 to vector<16xi32>
      %max3A_204 = arith.maxsi %max3A_203, %select_n3A_185 : vector<16xi32>
      %min3A_205 = vector.broadcast %jit3A_202 : i32 to vector<16xi32>
      %min3A_206 = arith.minsi %min3A_205, %max3A_204 : vector<16xi32>
      %add3A_207 = arith.constant 1 : i32
      %add3A_208 = vector.broadcast %add3A_207 : i32 to vector<16xi32>
      %add3A_209 = arith.addi %select_n3A_185, %add3A_208 : vector<16xi32>
      %jit3A_210 = arith.constant 0 : i32
      %jit3A_211 = arith.constant 511 : i32
      %max3A_212 = vector.broadcast %jit3A_210 : i32 to vector<16xi32>
      %max3A_213 = arith.maxsi %max3A_212, %add3A_209 : vector<16xi32>
      %min3A_214 = vector.broadcast %jit3A_211 : i32 to vector<16xi32>
      %min3A_215 = arith.minsi %min3A_214, %max3A_213 : vector<16xi32>
      %jit3A_216 = arith.constant 0.000000e+00 : f32
      %jit3A_217 = arith.constant 5.110000e+02 : f32
      %max3A_218 = vector.broadcast %jit3A_216 : f32 to vector<16xf32>
      %max3A_219 = arith.maximumf %max3A_218, %min3A_167 : vector<16xf32>
      %min3A_220 = vector.broadcast %jit3A_217 : f32 to vector<16xf32>
      %min3A_221 = arith.minimumf %min3A_220, %max3A_219 : vector<16xf32>
      %jit3A_222 = arith.constant 0.000000e+00 : f32
      %jit3A_223 = arith.constant 5.110000e+02 : f32
      %max3A_224 = vector.broadcast %jit3A_222 : f32 to vector<16xf32>
      %max3A_225 = arith.maximumf %max3A_224, %min3A_173 : vector<16xf32>
      %min3A_226 = vector.broadcast %jit3A_223 : f32 to vector<16xf32>
      %min3A_227 = arith.minimumf %min3A_226, %max3A_225 : vector<16xf32>
      %convert_element_type3A_228 = arith.sitofp %min3A_200 : vector<16xi32> to vector<16xf32>
      %sub3A_229 = arith.subf %convert_element_type3A_228, %min3A_221 : vector<16xf32>
      %convert_element_type3A_230 = arith.sitofp %min3A_191 : vector<16xi32> to vector<16xf32>
      %sub3A_231 = arith.subf %min3A_221, %convert_element_type3A_230 : vector<16xf32>
      %convert_element_type3A_232 = arith.sitofp %min3A_215 : vector<16xi32> to vector<16xf32>
      %sub3A_233 = arith.subf %convert_element_type3A_232, %min3A_227 : vector<16xf32>
      %convert_element_type3A_234 = arith.sitofp %min3A_206 : vector<16xi32> to vector<16xf32>
      %sub3A_235 = arith.subf %min3A_227, %convert_element_type3A_234 : vector<16xf32>
      %mul3A_236 = arith.constant 512 : i32
      %mul3A_237 = vector.broadcast %mul3A_236 : i32 to vector<16xi32>
      %mul3A_238 = arith.muli %min3A_206, %mul3A_237 : vector<16xi32>
      %add3A_239 = vector.broadcast %mul3A_107 : i32 to vector<16xi32>
      %add3A_240 = arith.addi %add3A_239, %mul3A_238 : vector<16xi32>
      %mul3A_241 = arith.constant 512 : i32
      %mul3A_242 = vector.broadcast %mul3A_241 : i32 to vector<16xi32>
      %mul3A_243 = arith.muli %min3A_215, %mul3A_242 : vector<16xi32>
      %add3A_244 = vector.broadcast %mul3A_107 : i32 to vector<16xi32>
      %add3A_245 = arith.addi %add3A_244, %mul3A_243 : vector<16xi32>
      %add3A_246 = arith.addi %add3A_240, %min3A_191 : vector<16xi32>
      %swap3A = arith.constant 0 : index
      %swap3A_247 = tpu.vector_load %arg10[%swap3A] {strides = array<i32>} : memref<64xi32, #tpu.memory_space<vmem>>, vector<16xi32>,
      tpu.vector_store %arg10[%swap3A], %add3A_246 {strides = array<i32>} : memref<64xi32, #tpu.memory_space<vmem>>, vector<16xi32>,
      %add3A_248 = arith.addi %add3A_245, %min3A_191 : vector<16xi32>
      %swap3A_249 = arith.constant 0 : index
      %swap3A_250 = tpu.vector_load %arg11[%swap3A_249] {strides = array<i32>} : memref<64xi32, #tpu.memory_space<vmem>>, vector<16xi32>,
      tpu.vector_store %arg11[%swap3A_249], %add3A_248 {strides = array<i32>} : memref<64xi32, #tpu.memory_space<vmem>>, vector<16xi32>,
      %add3A_251 = arith.addi %add3A_240, %min3A_200 : vector<16xi32>
      %swap3A_252 = arith.constant 0 : index
      %swap3A_253 = tpu.vector_load %arg12[%swap3A_252] {strides = array<i32>} : memref<64xi32, #tpu.memory_space<vmem>>, vector<16xi32>,
      tpu.vector_store %arg12[%swap3A_252], %add3A_251 {strides = array<i32>} : memref<64xi32, #tpu.memory_space<vmem>>, vector<16xi32>,
      %add3A_254 = arith.addi %add3A_245, %min3A_200 : vector<16xi32>
      %swap3A_255 = arith.constant 0 : index
      %swap3A_256 = tpu.vector_load %arg13[%swap3A_255] {strides = array<i32>} : memref<64xi32, #tpu.memory_space<vmem>>, vector<16xi32>,
      tpu.vector_store %arg13[%swap3A_255], %add3A_254 {strides = array<i32>} : memref<64xi32, #tpu.memory_space<vmem>>, vector<16xi32>,
      %mul3A_257 = arith.mulf %sub3A_229, %sub3A_233 : vector<16xf32>
      %mul3A_258 = arith.mulf %sub3A_229, %sub3A_235 : vector<16xf32>
      %mul3A_259 = arith.mulf %sub3A_231, %sub3A_233 : vector<16xf32>
      %mul3A_260 = arith.mulf %sub3A_231, %sub3A_235 : vector<16xf32>
      %swap3A_261 = arith.constant 0 : i32
      %swap3A_262 = arith.index_cast %swap3A_261 : i32 to index
      %swap3A_263 = arith.constant 0 : index
      %swap3A_264 = tpu.vector_load %arg14[%swap3A_262, %swap3A_263] {strides = array<i32>} : memref<4x80xf32, #tpu.memory_space<vmem>>, vector<16xf32>,
      tpu.vector_store %arg14[%swap3A_262, %swap3A_263], %mul3A_257 {strides = array<i32>} : memref<4x80xf32, #tpu.memory_space<vmem>>, vector<16xf32>,
      %swap3A_265 = arith.constant 1 : i32
      %swap3A_266 = arith.index_cast %swap3A_265 : i32 to index
      %swap3A_267 = arith.constant 0 : index
      %swap3A_268 = tpu.vector_load %arg14[%swap3A_266, %swap3A_267] {strides = array<i32>} : memref<4x80xf32, #tpu.memory_space<vmem>>, vector<16xf32>,
      tpu.vector_store %arg14[%swap3A_266, %swap3A_267], %mul3A_258 {strides = array<i32>} : memref<4x80xf32, #tpu.memory_space<vmem>>, vector<16xf32>,
      %swap3A_269 = arith.constant 2 : i32
      %swap3A_270 = arith.index_cast %swap3A_269 : i32 to index
      %swap3A_271 = arith.constant 0 : index
      %swap3A_272 = tpu.vector_load %arg14[%swap3A_270, %swap3A_271] {strides = array<i32>} : memref<4x80xf32, #tpu.memory_space<vmem>>, vector<16xf32>,
      tpu.vector_store %arg14[%swap3A_270, %swap3A_271], %mul3A_259 {strides = array<i32>} : memref<4x80xf32, #tpu.memory_space<vmem>>, vector<16xf32>,
      %swap3A_273 = arith.constant 3 : i32
      %swap3A_274 = arith.index_cast %swap3A_273 : i32 to index
      %swap3A_275 = arith.constant 0 : index
      %swap3A_276 = tpu.vector_load %arg14[%swap3A_274, %swap3A_275] {strides = array<i32>} : memref<4x80xf32, #tpu.memory_space<vmem>>, vector<16xf32>,
      tpu.vector_store %arg14[%swap3A_274, %swap3A_275], %mul3A_260 {strides = array<i32>} : memref<4x80xf32, #tpu.memory_space<vmem>>, vector<16xf32>,
      %add3A_277 = arith.addf %mul3A_257, %mul3A_258 : vector<16xf32>
      %add3A_278 = arith.addf %mul3A_259, %mul3A_260 : vector<16xf32>
      %add3A_279 = arith.addf %add3A_277, %add3A_278 : vector<16xf32>
      %add3A_280 = arith.addf %broadcast_in_dim3A_108, %add3A_279 : vector<16xf32>
      %jit3A_281 = arith.constant 16 : i32
      %div3A_282 = arith.divsi %select_n3A_102, %jit3A_281 : i32
      %sign3A_283 = arith.constant 0 : i32
      %sign3A_284 = arith.cmpi sgt, %select_n3A_102, %sign3A_283 : i32
      %sign3A_285 = arith.extui %sign3A_284 : i1 to i32
      %sign3A_286 = arith.constant 0 : i32
      %sign3A_287 = arith.cmpi slt, %select_n3A_102, %sign3A_286 : i32
      %sign3A_288 = arith.extui %sign3A_287 : i1 to i32
      %sign3A_289 = arith.subi %sign3A_285, %sign3A_288 : i32
      %sign3A_290 = arith.constant 0 : i32
      %sign3A_291 = arith.cmpi sgt, %jit3A_281, %sign3A_290 : i32
      %sign3A_292 = arith.extui %sign3A_291 : i1 to i32
      %sign3A_293 = arith.constant 0 : i32
      %sign3A_294 = arith.cmpi slt, %jit3A_281, %sign3A_293 : i32
      %sign3A_295 = arith.extui %sign3A_294 : i1 to i32
      %sign3A_296 = arith.subi %sign3A_292, %sign3A_295 : i32
      %ne3A_297 = arith.cmpi ne, %sign3A_289, %sign3A_296 : i32
      %rem3A_298 = arith.remsi %select_n3A_102, %jit3A_281 : i32
      %ne3A_299 = arith.constant 0 : i32
      %ne3A_300 = arith.cmpi ne, %rem3A_298, %ne3A_299 : i32
      %and3A_301 = arith.andi %ne3A_297, %ne3A_300 : i1
      %sub3A_302 = arith.constant 1 : i32
      %sub3A_303 = arith.subi %div3A_282, %sub3A_302 : i32
      %select_n3A_304 = arith.select %and3A_301, %sub3A_303, %div3A_282 : i32
      %add3A_305 = arith.constant 1 : i32
      %add3A_306 = arith.addi %select_n3A_304, %add3A_305 : i32
      %get3A_307 = arith.index_cast %add3A_306 : i32 to index
      %get3A_308 = arith.constant 0 : index
      %get3A_309 = tpu.vector_load %arg8[%get3A_307, %get3A_308] {strides = array<i32>} : memref<32x16xf32, #tpu.memory_space<vmem>>, vector<16xf32>,
      %mul3A_310 = vector.broadcast %squeeze3A : f32 to vector<16xf32>
      %mul3A_311 = arith.mulf %mul3A_310, %get3A_309 : vector<16xf32>
      %mul3A_312 = vector.broadcast %squeeze3A_28 : f32 to vector<16xf32>
      %mul3A_313 = arith.mulf %mul3A_312, %get3A_105 : vector<16xf32>
      %add3A_314 = arith.addf %mul3A_311, %mul3A_313 : vector<16xf32>
      %add3A_315 = vector.broadcast %squeeze3A_30 : f32 to vector<16xf32>
      %add3A_316 = arith.addf %add3A_314, %add3A_315 : vector<16xf32>
      %mul3A_317 = vector.broadcast %squeeze3A_32 : f32 to vector<16xf32>
      %mul3A_318 = arith.mulf %mul3A_317, %get3A_309 : vector<16xf32>
      %mul3A_319 = vector.broadcast %squeeze3A_34 : f32 to vector<16xf32>
      %mul3A_320 = arith.mulf %mul3A_319, %get3A_105 : vector<16xf32>
      %add3A_321 = arith.addf %mul3A_318, %mul3A_320 : vector<16xf32>
      %add3A_322 = vector.broadcast %squeeze3A_36 : f32 to vector<16xf32>
      %add3A_323 = arith.addf %add3A_321, %add3A_322 : vector<16xf32>
      %add3A_324 = arith.constant 1.000000e+00 : f32
      %add3A_325 = vector.broadcast %add3A_324 : f32 to vector<16xf32>
      %add3A_326 = arith.addf %add3A_316, %add3A_325 : vector<16xf32>
      %mul3A_327 = arith.constant 2.560000e+02 : f32
      %mul3A_328 = vector.broadcast %mul3A_327 : f32 to vector<16xf32>
      %mul3A_329 = arith.mulf %add3A_326, %mul3A_328 : vector<16xf32>
      %add3A_330 = arith.constant 1.000000e+00 : f32
      %add3A_331 = vector.broadcast %add3A_330 : f32 to vector<16xf32>
      %add3A_332 = arith.addf %add3A_323, %add3A_331 : vector<16xf32>
      %mul3A_333 = arith.constant 2.560000e+02 : f32
      %mul3A_334 = vector.broadcast %mul3A_333 : f32 to vector<16xf32>
      %mul3A_335 = arith.mulf %add3A_332, %mul3A_334 : vector<16xf32>
      %jit3A_336 = arith.constant -4.000000e+00 : f32
      %jit3A_337 = arith.constant 5.160000e+02 : f32
      %max3A_338 = vector.broadcast %jit3A_336 : f32 to vector<16xf32>
      %max3A_339 = arith.maximumf %max3A_338, %mul3A_329 : vector<16xf32>
      %min3A_340 = vector.broadcast %jit3A_337 : f32 to vector<16xf32>
      %min3A_341 = arith.minimumf %min3A_340, %max3A_339 : vector<16xf32>
      %jit3A_342 = arith.constant -4.000000e+00 : f32
      %jit3A_343 = arith.constant 5.160000e+02 : f32
      %max3A_344 = vector.broadcast %jit3A_342 : f32 to vector<16xf32>
      %max3A_345 = arith.maximumf %max3A_344, %mul3A_335 : vector<16xf32>
      %min3A_346 = vector.broadcast %jit3A_343 : f32 to vector<16xf32>
      %min3A_347 = arith.minimumf %min3A_346, %max3A_345 : vector<16xf32>
      %convert_element_type3A_348 = arith.fptosi %min3A_341 : vector<16xf32> to vector<16xi32>
      %convert_element_type3A_349 = arith.fptosi %min3A_347 : vector<16xf32> to vector<16xi32>
      %convert_element_type3A_350 = arith.sitofp %convert_element_type3A_348 : vector<16xi32> to vector<16xf32>
      %gt3A_351 = arith.cmpf ogt, %convert_element_type3A_350, %min3A_341 : vector<16xf32>
      %sub3A_352 = arith.constant 1 : i32
      %sub3A_353 = vector.broadcast %sub3A_352 : i32 to vector<16xi32>
      %sub3A_354 = arith.subi %convert_element_type3A_348, %sub3A_353 : vector<16xi32>
      %select_n3A_355 = arith.select %gt3A_351, %sub3A_354, %convert_element_type3A_348 : vector<16xi1>, vector<16xi32>
      %convert_element_type3A_356 = arith.sitofp %convert_element_type3A_349 : vector<16xi32> to vector<16xf32>
      %gt3A_357 = arith.cmpf ogt, %convert_element_type3A_356, %min3A_347 : vector<16xf32>
      %sub3A_358 = arith.constant 1 : i32
      %sub3A_359 = vector.broadcast %sub3A_358 : i32 to vector<16xi32>
      %sub3A_360 = arith.subi %convert_element_type3A_349, %sub3A_359 : vector<16xi32>
      %select_n3A_361 = arith.select %gt3A_357, %sub3A_360, %convert_element_type3A_349 : vector<16xi1>, vector<16xi32>
      %jit3A_362 = arith.constant 0 : i32
      %jit3A_363 = arith.constant 511 : i32
      %max3A_364 = vector.broadcast %jit3A_362 : i32 to vector<16xi32>
      %max3A_365 = arith.maxsi %max3A_364, %select_n3A_355 : vector<16xi32>
      %min3A_366 = vector.broadcast %jit3A_363 : i32 to vector<16xi32>
      %min3A_367 = arith.minsi %min3A_366, %max3A_365 : vector<16xi32>
      %add3A_368 = arith.constant 1 : i32
      %add3A_369 = vector.broadcast %add3A_368 : i32 to vector<16xi32>
      %add3A_370 = arith.addi %select_n3A_355, %add3A_369 : vector<16xi32>
      %jit3A_371 = arith.constant 0 : i32
      %jit3A_372 = arith.constant 511 : i32
      %max3A_373 = vector.broadcast %jit3A_371 : i32 to vector<16xi32>
      %max3A_374 = arith.maxsi %max3A_373, %add3A_370 : vector<16xi32>
      %min3A_375 = vector.broadcast %jit3A_372 : i32 to vector<16xi32>
      %min3A_376 = arith.minsi %min3A_375, %max3A_374 : vector<16xi32>
      %jit3A_377 = arith.constant 0 : i32
      %jit3A_378 = arith.constant 511 : i32
      %max3A_379 = vector.broadcast %jit3A_377 : i32 to vector<16xi32>
      %max3A_380 = arith.maxsi %max3A_379, %select_n3A_361 : vector<16xi32>
      %min3A_381 = vector.broadcast %jit3A_378 : i32 to vector<16xi32>
      %min3A_382 = arith.minsi %min3A_381, %max3A_380 : vector<16xi32>
      %add3A_383 = arith.constant 1 : i32
      %add3A_384 = vector.broadcast %add3A_383 : i32 to vector<16xi32>
      %add3A_385 = arith.addi %select_n3A_361, %add3A_384 : vector<16xi32>
      %jit3A_386 = arith.constant 0 : i32
      %jit3A_387 = arith.constant 511 : i32
      %max3A_388 = vector.broadcast %jit3A_386 : i32 to vector<16xi32>
      %max3A_389 = arith.maxsi %max3A_388, %add3A_385 : vector<16xi32>
      %min3A_390 = vector.broadcast %jit3A_387 : i32 to vector<16xi32>
      %min3A_391 = arith.minsi %min3A_390, %max3A_389 : vector<16xi32>
      %jit3A_392 = arith.constant 0.000000e+00 : f32
      %jit3A_393 = arith.constant 5.110000e+02 : f32
      %max3A_394 = vector.broadcast %jit3A_392 : f32 to vector<16xf32>
      %max3A_395 = arith.maximumf %max3A_394, %min3A_341 : vector<16xf32>
      %min3A_396 = vector.broadcast %jit3A_393 : f32 to vector<16xf32>
      %min3A_397 = arith.minimumf %min3A_396, %max3A_395 : vector<16xf32>
      %jit3A_398 = arith.constant 0.000000e+00 : f32
      %jit3A_399 = arith.constant 5.110000e+02 : f32
      %max3A_400 = vector.broadcast %jit3A_398 : f32 to vector<16xf32>
      %max3A_401 = arith.maximumf %max3A_400, %min3A_347 : vector<16xf32>
      %min3A_402 = vector.broadcast %jit3A_399 : f32 to vector<16xf32>
      %min3A_403 = arith.minimumf %min3A_402, %max3A_401 : vector<16xf32>
      %convert_element_type3A_404 = arith.sitofp %min3A_376 : vector<16xi32> to vector<16xf32>
      %sub3A_405 = arith.subf %convert_element_type3A_404, %min3A_397 : vector<16xf32>
      %convert_element_type3A_406 = arith.sitofp %min3A_367 : vector<16xi32> to vector<16xf32>
      %sub3A_407 = arith.subf %min3A_397, %convert_element_type3A_406 : vector<16xf32>
      %convert_element_type3A_408 = arith.sitofp %min3A_391 : vector<16xi32> to vector<16xf32>
      %sub3A_409 = arith.subf %convert_element_type3A_408, %min3A_403 : vector<16xf32>
      %convert_element_type3A_410 = arith.sitofp %min3A_382 : vector<16xi32> to vector<16xf32>
      %sub3A_411 = arith.subf %min3A_403, %convert_element_type3A_410 : vector<16xf32>
      %mul3A_412 = arith.constant 512 : i32
      %mul3A_413 = vector.broadcast %mul3A_412 : i32 to vector<16xi32>
      %mul3A_414 = arith.muli %min3A_382, %mul3A_413 : vector<16xi32>
      %add3A_415 = vector.broadcast %mul3A_107 : i32 to vector<16xi32>
      %add3A_416 = arith.addi %add3A_415, %mul3A_414 : vector<16xi32>
      %mul3A_417 = arith.constant 512 : i32
      %mul3A_418 = vector.broadcast %mul3A_417 : i32 to vector<16xi32>
      %mul3A_419 = arith.muli %min3A_391, %mul3A_418 : vector<16xi32>
      %add3A_420 = vector.broadcast %mul3A_107 : i32 to vector<16xi32>
      %add3A_421 = arith.addi %add3A_420, %mul3A_419 : vector<16xi32>
      %add3A_422 = arith.addi %add3A_416, %min3A_367 : vector<16xi32>
      %swap3A_423 = arith.constant 16 : index
      %swap3A_424 = tpu.vector_load %arg10[%swap3A_423] {strides = array<i32>} : memref<64xi32, #tpu.memory_space<vmem>>, vector<16xi32>,
      tpu.vector_store %arg10[%swap3A_423], %add3A_422 {strides = array<i32>} : memref<64xi32, #tpu.memory_space<vmem>>, vector<16xi32>,
      %add3A_425 = arith.addi %add3A_421, %min3A_367 : vector<16xi32>
      %swap3A_426 = arith.constant 16 : index
      %swap3A_427 = tpu.vector_load %arg11[%swap3A_426] {strides = array<i32>} : memref<64xi32, #tpu.memory_space<vmem>>, vector<16xi32>,
      tpu.vector_store %arg11[%swap3A_426], %add3A_425 {strides = array<i32>} : memref<64xi32, #tpu.memory_space<vmem>>, vector<16xi32>,
      %add3A_428 = arith.addi %add3A_416, %min3A_376 : vector<16xi32>
      %swap3A_429 = arith.constant 16 : index
      %swap3A_430 = tpu.vector_load %arg12[%swap3A_429] {strides = array<i32>} : memref<64xi32, #tpu.memory_space<vmem>>, vector<16xi32>,
      tpu.vector_store %arg12[%swap3A_429], %add3A_428 {strides = array<i32>} : memref<64xi32, #tpu.memory_space<vmem>>, vector<16xi32>,
      %add3A_431 = arith.addi %add3A_421, %min3A_376 : vector<16xi32>
      %swap3A_432 = arith.constant 16 : index
      %swap3A_433 = tpu.vector_load %arg13[%swap3A_432] {strides = array<i32>} : memref<64xi32, #tpu.memory_space<vmem>>, vector<16xi32>,
      tpu.vector_store %arg13[%swap3A_432], %add3A_431 {strides = array<i32>} : memref<64xi32, #tpu.memory_space<vmem>>, vector<16xi32>,
      %mul3A_434 = arith.mulf %sub3A_405, %sub3A_409 : vector<16xf32>
      %mul3A_435 = arith.mulf %sub3A_405, %sub3A_411 : vector<16xf32>
      %mul3A_436 = arith.mulf %sub3A_407, %sub3A_409 : vector<16xf32>
      %mul3A_437 = arith.mulf %sub3A_407, %sub3A_411 : vector<16xf32>
      %swap3A_438 = arith.constant 0 : i32
      %swap3A_439 = arith.index_cast %swap3A_438 : i32 to index
      %swap3A_440 = arith.constant 16 : index
      %swap3A_441 = tpu.vector_load %arg14[%swap3A_439, %swap3A_440] {strides = array<i32>} : memref<4x80xf32, #tpu.memory_space<vmem>>, vector<16xf32>,
      tpu.vector_store %arg14[%swap3A_439, %swap3A_440], %mul3A_434 {strides = array<i32>} : memref<4x80xf32, #tpu.memory_space<vmem>>, vector<16xf32>,
      %swap3A_442 = arith.constant 1 : i32
      %swap3A_443 = arith.index_cast %swap3A_442 : i32 to index
      %swap3A_444 = arith.constant 16 : index
      %swap3A_445 = tpu.vector_load %arg14[%swap3A_443, %swap3A_444] {strides = array<i32>} : memref<4x80xf32, #tpu.memory_space<vmem>>, vector<16xf32>,
      tpu.vector_store %arg14[%swap3A_443, %swap3A_444], %mul3A_435 {strides = array<i32>} : memref<4x80xf32, #tpu.memory_space<vmem>>, vector<16xf32>,
      %swap3A_446 = arith.constant 2 : i32
      %swap3A_447 = arith.index_cast %swap3A_446 : i32 to index
      %swap3A_448 = arith.constant 16 : index
      %swap3A_449 = tpu.vector_load %arg14[%swap3A_447, %swap3A_448] {strides = array<i32>} : memref<4x80xf32, #tpu.memory_space<vmem>>, vector<16xf32>,
      tpu.vector_store %arg14[%swap3A_447, %swap3A_448], %mul3A_436 {strides = array<i32>} : memref<4x80xf32, #tpu.memory_space<vmem>>, vector<16xf32>,
      %swap3A_450 = arith.constant 3 : i32
      %swap3A_451 = arith.index_cast %swap3A_450 : i32 to index
      %swap3A_452 = arith.constant 16 : index
      %swap3A_453 = tpu.vector_load %arg14[%swap3A_451, %swap3A_452] {strides = array<i32>} : memref<4x80xf32, #tpu.memory_space<vmem>>, vector<16xf32>,
      tpu.vector_store %arg14[%swap3A_451, %swap3A_452], %mul3A_437 {strides = array<i32>} : memref<4x80xf32, #tpu.memory_space<vmem>>, vector<16xf32>,
      %add3A_454 = arith.addf %mul3A_434, %mul3A_435 : vector<16xf32>
      %add3A_455 = arith.addf %mul3A_436, %mul3A_437 : vector<16xf32>
      %add3A_456 = arith.addf %add3A_454, %add3A_455 : vector<16xf32>
      %add3A_457 = arith.addf %add3A_280, %add3A_456 : vector<16xf32>
      %jit3A_458 = arith.constant 16 : i32
      %div3A_459 = arith.divsi %select_n3A_102, %jit3A_458 : i32
      %sign3A_460 = arith.constant 0 : i32
      %sign3A_461 = arith.cmpi sgt, %select_n3A_102, %sign3A_460 : i32
      %sign3A_462 = arith.extui %sign3A_461 : i1 to i32
      %sign3A_463 = arith.constant 0 : i32
      %sign3A_464 = arith.cmpi slt, %select_n3A_102, %sign3A_463 : i32
      %sign3A_465 = arith.extui %sign3A_464 : i1 to i32
      %sign3A_466 = arith.subi %sign3A_462, %sign3A_465 : i32
      %sign3A_467 = arith.constant 0 : i32
      %sign3A_468 = arith.cmpi sgt, %jit3A_458, %sign3A_467 : i32
      %sign3A_469 = arith.extui %sign3A_468 : i1 to i32
      %sign3A_470 = arith.constant 0 : i32
      %sign3A_471 = arith.cmpi slt, %jit3A_458, %sign3A_470 : i32
      %sign3A_472 = arith.extui %sign3A_471 : i1 to i32
      %sign3A_473 = arith.subi %sign3A_469, %sign3A_472 : i32
      %ne3A_474 = arith.cmpi ne, %sign3A_466, %sign3A_473 : i32
      %rem3A_475 = arith.remsi %select_n3A_102, %jit3A_458 : i32
      %ne3A_476 = arith.constant 0 : i32
      %ne3A_477 = arith.cmpi ne, %rem3A_475, %ne3A_476 : i32
      %and3A_478 = arith.andi %ne3A_474, %ne3A_477 : i1
      %sub3A_479 = arith.constant 1 : i32
      %sub3A_480 = arith.subi %div3A_459, %sub3A_479 : i32
      %select_n3A_481 = arith.select %and3A_478, %sub3A_480, %div3A_459 : i32
      %add3A_482 = arith.constant 2 : i32
      %add3A_483 = arith.addi %select_n3A_481, %add3A_482 : i32
      %get3A_484 = arith.index_cast %add3A_483 : i32 to index
      %get3A_485 = arith.constant 0 : index
      %get3A_486 = tpu.vector_load %arg8[%get3A_484, %get3A_485] {strides = array<i32>} : memref<32x16xf32, #tpu.memory_space<vmem>>, vector<16xf32>,
      %mul3A_487 = vector.broadcast %squeeze3A : f32 to vector<16xf32>
      %mul3A_488 = arith.mulf %mul3A_487, %get3A_486 : vector<16xf32>
      %mul3A_489 = vector.broadcast %squeeze3A_28 : f32 to vector<16xf32>
      %mul3A_490 = arith.mulf %mul3A_489, %get3A_105 : vector<16xf32>
      %add3A_491 = arith.addf %mul3A_488, %mul3A_490 : vector<16xf32>
      %add3A_492 = vector.broadcast %squeeze3A_30 : f32 to vector<16xf32>
      %add3A_493 = arith.addf %add3A_491, %add3A_492 : vector<16xf32>
      %mul3A_494 = vector.broadcast %squeeze3A_32 : f32 to vector<16xf32>
      %mul3A_495 = arith.mulf %mul3A_494, %get3A_486 : vector<16xf32>
      %mul3A_496 = vector.broadcast %squeeze3A_34 : f32 to vector<16xf32>
      %mul3A_497 = arith.mulf %mul3A_496, %get3A_105 : vector<16xf32>
      %add3A_498 = arith.addf %mul3A_495, %mul3A_497 : vector<16xf32>
      %add3A_499 = vector.broadcast %squeeze3A_36 : f32 to vector<16xf32>
      %add3A_500 = arith.addf %add3A_498, %add3A_499 : vector<16xf32>
      %add3A_501 = arith.constant 1.000000e+00 : f32
      %add3A_502 = vector.broadcast %add3A_501 : f32 to vector<16xf32>
      %add3A_503 = arith.addf %add3A_493, %add3A_502 : vector<16xf32>
      %mul3A_504 = arith.constant 2.560000e+02 : f32
      %mul3A_505 = vector.broadcast %mul3A_504 : f32 to vector<16xf32>
      %mul3A_506 = arith.mulf %add3A_503, %mul3A_505 : vector<16xf32>
      %add3A_507 = arith.constant 1.000000e+00 : f32
      %add3A_508 = vector.broadcast %add3A_507 : f32 to vector<16xf32>
      %add3A_509 = arith.addf %add3A_500, %add3A_508 : vector<16xf32>
      %mul3A_510 = arith.constant 2.560000e+02 : f32
      %mul3A_511 = vector.broadcast %mul3A_510 : f32 to vector<16xf32>
      %mul3A_512 = arith.mulf %add3A_509, %mul3A_511 : vector<16xf32>
      %jit3A_513 = arith.constant -4.000000e+00 : f32
      %jit3A_514 = arith.constant 5.160000e+02 : f32
      %max3A_515 = vector.broadcast %jit3A_513 : f32 to vector<16xf32>
      %max3A_516 = arith.maximumf %max3A_515, %mul3A_506 : vector<16xf32>
      %min3A_517 = vector.broadcast %jit3A_514 : f32 to vector<16xf32>
      %min3A_518 = arith.minimumf %min3A_517, %max3A_516 : vector<16xf32>
      %jit3A_519 = arith.constant -4.000000e+00 : f32
      %jit3A_520 = arith.constant 5.160000e+02 : f32
      %max3A_521 = vector.broadcast %jit3A_519 : f32 to vector<16xf32>
      %max3A_522 = arith.maximumf %max3A_521, %mul3A_512 : vector<16xf32>
      %min3A_523 = vector.broadcast %jit3A_520 : f32 to vector<16xf32>
      %min3A_524 = arith.minimumf %min3A_523, %max3A_522 : vector<16xf32>
      %convert_element_type3A_525 = arith.fptosi %min3A_518 : vector<16xf32> to vector<16xi32>
      %convert_element_type3A_526 = arith.fptosi %min3A_524 : vector<16xf32> to vector<16xi32>
      %convert_element_type3A_527 = arith.sitofp %convert_element_type3A_525 : vector<16xi32> to vector<16xf32>
      %gt3A_528 = arith.cmpf ogt, %convert_element_type3A_527, %min3A_518 : vector<16xf32>
      %sub3A_529 = arith.constant 1 : i32
      %sub3A_530 = vector.broadcast %sub3A_529 : i32 to vector<16xi32>
      %sub3A_531 = arith.subi %convert_element_type3A_525, %sub3A_530 : vector<16xi32>
      %select_n3A_532 = arith.select %gt3A_528, %sub3A_531, %convert_element_type3A_525 : vector<16xi1>, vector<16xi32>
      %convert_element_type3A_533 = arith.sitofp %convert_element_type3A_526 : vector<16xi32> to vector<16xf32>
      %gt3A_534 = arith.cmpf ogt, %convert_element_type3A_533, %min3A_524 : vector<16xf32>
      %sub3A_535 = arith.constant 1 : i32
      %sub3A_536 = vector.broadcast %sub3A_535 : i32 to vector<16xi32>
      %sub3A_537 = arith.subi %convert_element_type3A_526, %sub3A_536 : vector<16xi32>
      %select_n3A_538 = arith.select %gt3A_534, %sub3A_537, %convert_element_type3A_526 : vector<16xi1>, vector<16xi32>
      %jit3A_539 = arith.constant 0 : i32
      %jit3A_540 = arith.constant 511 : i32
      %max3A_541 = vector.broadcast %jit3A_539 : i32 to vector<16xi32>
      %max3A_542 = arith.maxsi %max3A_541, %select_n3A_532 : vector<16xi32>
      %min3A_543 = vector.broadcast %jit3A_540 : i32 to vector<16xi32>
      %min3A_544 = arith.minsi %min3A_543, %max3A_542 : vector<16xi32>
      %add3A_545 = arith.constant 1 : i32
      %add3A_546 = vector.broadcast %add3A_545 : i32 to vector<16xi32>
      %add3A_547 = arith.addi %select_n3A_532, %add3A_546 : vector<16xi32>
      %jit3A_548 = arith.constant 0 : i32
      %jit3A_549 = arith.constant 511 : i32
      %max3A_550 = vector.broadcast %jit3A_548 : i32 to vector<16xi32>
      %max3A_551 = arith.maxsi %max3A_550, %add3A_547 : vector<16xi32>
      %min3A_552 = vector.broadcast %jit3A_549 : i32 to vector<16xi32>
      %min3A_553 = arith.minsi %min3A_552, %max3A_551 : vector<16xi32>
      %jit3A_554 = arith.constant 0 : i32
      %jit3A_555 = arith.constant 511 : i32
      %max3A_556 = vector.broadcast %jit3A_554 : i32 to vector<16xi32>
      %max3A_557 = arith.maxsi %max3A_556, %select_n3A_538 : vector<16xi32>
      %min3A_558 = vector.broadcast %jit3A_555 : i32 to vector<16xi32>
      %min3A_559 = arith.minsi %min3A_558, %max3A_557 : vector<16xi32>
      %add3A_560 = arith.constant 1 : i32
      %add3A_561 = vector.broadcast %add3A_560 : i32 to vector<16xi32>
      %add3A_562 = arith.addi %select_n3A_538, %add3A_561 : vector<16xi32>
      %jit3A_563 = arith.constant 0 : i32
      %jit3A_564 = arith.constant 511 : i32
      %max3A_565 = vector.broadcast %jit3A_563 : i32 to vector<16xi32>
      %max3A_566 = arith.maxsi %max3A_565, %add3A_562 : vector<16xi32>
      %min3A_567 = vector.broadcast %jit3A_564 : i32 to vector<16xi32>
      %min3A_568 = arith.minsi %min3A_567, %max3A_566 : vector<16xi32>
      %jit3A_569 = arith.constant 0.000000e+00 : f32
      %jit3A_570 = arith.constant 5.110000e+02 : f32
      %max3A_571 = vector.broadcast %jit3A_569 : f32 to vector<16xf32>
      %max3A_572 = arith.maximumf %max3A_571, %min3A_518 : vector<16xf32>
      %min3A_573 = vector.broadcast %jit3A_570 : f32 to vector<16xf32>
      %min3A_574 = arith.minimumf %min3A_573, %max3A_572 : vector<16xf32>
      %jit3A_575 = arith.constant 0.000000e+00 : f32
      %jit3A_576 = arith.constant 5.110000e+02 : f32
      %max3A_577 = vector.broadcast %jit3A_575 : f32 to vector<16xf32>
      %max3A_578 = arith.maximumf %max3A_577, %min3A_524 : vector<16xf32>
      %min3A_579 = vector.broadcast %jit3A_576 : f32 to vector<16xf32>
      %min3A_580 = arith.minimumf %min3A_579, %max3A_578 : vector<16xf32>
      %convert_element_type3A_581 = arith.sitofp %min3A_553 : vector<16xi32> to vector<16xf32>
      %sub3A_582 = arith.subf %convert_element_type3A_581, %min3A_574 : vector<16xf32>
      %convert_element_type3A_583 = arith.sitofp %min3A_544 : vector<16xi32> to vector<16xf32>
      %sub3A_584 = arith.subf %min3A_574, %convert_element_type3A_583 : vector<16xf32>
      %convert_element_type3A_585 = arith.sitofp %min3A_568 : vector<16xi32> to vector<16xf32>
      %sub3A_586 = arith.subf %convert_element_type3A_585, %min3A_580 : vector<16xf32>
      %convert_element_type3A_587 = arith.sitofp %min3A_559 : vector<16xi32> to vector<16xf32>
      %sub3A_588 = arith.subf %min3A_580, %convert_element_type3A_587 : vector<16xf32>
      %mul3A_589 = arith.constant 512 : i32
      %mul3A_590 = vector.broadcast %mul3A_589 : i32 to vector<16xi32>
      %mul3A_591 = arith.muli %min3A_559, %mul3A_590 : vector<16xi32>
      %add3A_592 = vector.broadcast %mul3A_107 : i32 to vector<16xi32>
      %add3A_593 = arith.addi %add3A_592, %mul3A_591 : vector<16xi32>
      %mul3A_594 = arith.constant 512 : i32
      %mul3A_595 = vector.broadcast %mul3A_594 : i32 to vector<16xi32>
      %mul3A_596 = arith.muli %min3A_568, %mul3A_595 : vector<16xi32>
      %add3A_597 = vector.broadcast %mul3A_107 : i32 to vector<16xi32>
      %add3A_598 = arith.addi %add3A_597, %mul3A_596 : vector<16xi32>
      %add3A_599 = arith.addi %add3A_593, %min3A_544 : vector<16xi32>
      %swap3A_600 = arith.constant 32 : index
      %swap3A_601 = tpu.vector_load %arg10[%swap3A_600] {strides = array<i32>} : memref<64xi32, #tpu.memory_space<vmem>>, vector<16xi32>,
      tpu.vector_store %arg10[%swap3A_600], %add3A_599 {strides = array<i32>} : memref<64xi32, #tpu.memory_space<vmem>>, vector<16xi32>,
      %add3A_602 = arith.addi %add3A_598, %min3A_544 : vector<16xi32>
      %swap3A_603 = arith.constant 32 : index
      %swap3A_604 = tpu.vector_load %arg11[%swap3A_603] {strides = array<i32>} : memref<64xi32, #tpu.memory_space<vmem>>, vector<16xi32>,
      tpu.vector_store %arg11[%swap3A_603], %add3A_602 {strides = array<i32>} : memref<64xi32, #tpu.memory_space<vmem>>, vector<16xi32>,
      %add3A_605 = arith.addi %add3A_593, %min3A_553 : vector<16xi32>
      %swap3A_606 = arith.constant 32 : index
      %swap3A_607 = tpu.vector_load %arg12[%swap3A_606] {strides = array<i32>} : memref<64xi32, #tpu.memory_space<vmem>>, vector<16xi32>,
      tpu.vector_store %arg12[%swap3A_606], %add3A_605 {strides = array<i32>} : memref<64xi32, #tpu.memory_space<vmem>>, vector<16xi32>,
      %add3A_608 = arith.addi %add3A_598, %min3A_553 : vector<16xi32>
      %swap3A_609 = arith.constant 32 : index
      %swap3A_610 = tpu.vector_load %arg13[%swap3A_609] {strides = array<i32>} : memref<64xi32, #tpu.memory_space<vmem>>, vector<16xi32>,
      tpu.vector_store %arg13[%swap3A_609], %add3A_608 {strides = array<i32>} : memref<64xi32, #tpu.memory_space<vmem>>, vector<16xi32>,
      %mul3A_611 = arith.mulf %sub3A_582, %sub3A_586 : vector<16xf32>
      %mul3A_612 = arith.mulf %sub3A_582, %sub3A_588 : vector<16xf32>
      %mul3A_613 = arith.mulf %sub3A_584, %sub3A_586 : vector<16xf32>
      %mul3A_614 = arith.mulf %sub3A_584, %sub3A_588 : vector<16xf32>
      %swap3A_615 = arith.constant 0 : i32
      %swap3A_616 = arith.index_cast %swap3A_615 : i32 to index
      %swap3A_617 = arith.constant 32 : index
      %swap3A_618 = tpu.vector_load %arg14[%swap3A_616, %swap3A_617] {strides = array<i32>} : memref<4x80xf32, #tpu.memory_space<vmem>>, vector<16xf32>,
      tpu.vector_store %arg14[%swap3A_616, %swap3A_617], %mul3A_611 {strides = array<i32>} : memref<4x80xf32, #tpu.memory_space<vmem>>, vector<16xf32>,
      %swap3A_619 = arith.constant 1 : i32
      %swap3A_620 = arith.index_cast %swap3A_619 : i32 to index
      %swap3A_621 = arith.constant 32 : index
      %swap3A_622 = tpu.vector_load %arg14[%swap3A_620, %swap3A_621] {strides = array<i32>} : memref<4x80xf32, #tpu.memory_space<vmem>>, vector<16xf32>,
      tpu.vector_store %arg14[%swap3A_620, %swap3A_621], %mul3A_612 {strides = array<i32>} : memref<4x80xf32, #tpu.memory_space<vmem>>, vector<16xf32>,
      %swap3A_623 = arith.constant 2 : i32
      %swap3A_624 = arith.index_cast %swap3A_623 : i32 to index
      %swap3A_625 = arith.constant 32 : index
      %swap3A_626 = tpu.vector_load %arg14[%swap3A_624, %swap3A_625] {strides = array<i32>} : memref<4x80xf32, #tpu.memory_space<vmem>>, vector<16xf32>,
      tpu.vector_store %arg14[%swap3A_624, %swap3A_625], %mul3A_613 {strides = array<i32>} : memref<4x80xf32, #tpu.memory_space<vmem>>, vector<16xf32>,
      %swap3A_627 = arith.constant 3 : i32
      %swap3A_628 = arith.index_cast %swap3A_627 : i32 to index
      %swap3A_629 = arith.constant 32 : index
      %swap3A_630 = tpu.vector_load %arg14[%swap3A_628, %swap3A_629] {strides = array<i32>} : memref<4x80xf32, #tpu.memory_space<vmem>>, vector<16xf32>,
      tpu.vector_store %arg14[%swap3A_628, %swap3A_629], %mul3A_614 {strides = array<i32>} : memref<4x80xf32, #tpu.memory_space<vmem>>, vector<16xf32>,
      %add3A_631 = arith.addf %mul3A_611, %mul3A_612 : vector<16xf32>
      %add3A_632 = arith.addf %mul3A_613, %mul3A_614 : vector<16xf32>
      %add3A_633 = arith.addf %add3A_631, %add3A_632 : vector<16xf32>
      %add3A_634 = arith.addf %add3A_457, %add3A_633 : vector<16xf32>
      %jit3A_635 = arith.constant 16 : i32
      %div3A_636 = arith.divsi %select_n3A_102, %jit3A_635 : i32
      %sign3A_637 = arith.constant 0 : i32
      %sign3A_638 = arith.cmpi sgt, %select_n3A_102, %sign3A_637 : i32
      %sign3A_639 = arith.extui %sign3A_638 : i1 to i32
      %sign3A_640 = arith.constant 0 : i32
      %sign3A_641 = arith.cmpi slt, %select_n3A_102, %sign3A_640 : i32
      %sign3A_642 = arith.extui %sign3A_641 : i1 to i32
      %sign3A_643 = arith.subi %sign3A_639, %sign3A_642 : i32
      %sign3A_644 = arith.constant 0 : i32
      %sign3A_645 = arith.cmpi sgt, %jit3A_635, %sign3A_644 : i32
      %sign3A_646 = arith.extui %sign3A_645 : i1 to i32
      %sign3A_647 = arith.constant 0 : i32
      %sign3A_648 = arith.cmpi slt, %jit3A_635, %sign3A_647 : i32
      %sign3A_649 = arith.extui %sign3A_648 : i1 to i32
      %sign3A_650 = arith.subi %sign3A_646, %sign3A_649 : i32
      %ne3A_651 = arith.cmpi ne, %sign3A_643, %sign3A_650 : i32
      %rem3A_652 = arith.remsi %select_n3A_102, %jit3A_635 : i32
      %ne3A_653 = arith.constant 0 : i32
      %ne3A_654 = arith.cmpi ne, %rem3A_652, %ne3A_653 : i32
      %and3A_655 = arith.andi %ne3A_651, %ne3A_654 : i1
      %sub3A_656 = arith.constant 1 : i32
      %sub3A_657 = arith.subi %div3A_636, %sub3A_656 : i32
      %select_n3A_658 = arith.select %and3A_655, %sub3A_657, %div3A_636 : i32
      %add3A_659 = arith.constant 3 : i32
      %add3A_660 = arith.addi %select_n3A_658, %add3A_659 : i32
      %get3A_661 = arith.index_cast %add3A_660 : i32 to index
      %get3A_662 = arith.constant 0 : index
      %get3A_663 = tpu.vector_load %arg8[%get3A_661, %get3A_662] {strides = array<i32>} : memref<32x16xf32, #tpu.memory_space<vmem>>, vector<16xf32>,
      %mul3A_664 = vector.broadcast %squeeze3A : f32 to vector<16xf32>
      %mul3A_665 = arith.mulf %mul3A_664, %get3A_663 : vector<16xf32>
      %mul3A_666 = vector.broadcast %squeeze3A_28 : f32 to vector<16xf32>
      %mul3A_667 = arith.mulf %mul3A_666, %get3A_105 : vector<16xf32>
      %add3A_668 = arith.addf %mul3A_665, %mul3A_667 : vector<16xf32>
      %add3A_669 = vector.broadcast %squeeze3A_30 : f32 to vector<16xf32>
      %add3A_670 = arith.addf %add3A_668, %add3A_669 : vector<16xf32>
      %mul3A_671 = vector.broadcast %squeeze3A_32 : f32 to vector<16xf32>
      %mul3A_672 = arith.mulf %mul3A_671, %get3A_663 : vector<16xf32>
      %mul3A_673 = vector.broadcast %squeeze3A_34 : f32 to vector<16xf32>
      %mul3A_674 = arith.mulf %mul3A_673, %get3A_105 : vector<16xf32>
      %add3A_675 = arith.addf %mul3A_672, %mul3A_674 : vector<16xf32>
      %add3A_676 = vector.broadcast %squeeze3A_36 : f32 to vector<16xf32>
      %add3A_677 = arith.addf %add3A_675, %add3A_676 : vector<16xf32>
      %add3A_678 = arith.constant 1.000000e+00 : f32
      %add3A_679 = vector.broadcast %add3A_678 : f32 to vector<16xf32>
      %add3A_680 = arith.addf %add3A_670, %add3A_679 : vector<16xf32>
      %mul3A_681 = arith.constant 2.560000e+02 : f32
      %mul3A_682 = vector.broadcast %mul3A_681 : f32 to vector<16xf32>
      %mul3A_683 = arith.mulf %add3A_680, %mul3A_682 : vector<16xf32>
      %add3A_684 = arith.constant 1.000000e+00 : f32
      %add3A_685 = vector.broadcast %add3A_684 : f32 to vector<16xf32>
      %add3A_686 = arith.addf %add3A_677, %add3A_685 : vector<16xf32>
      %mul3A_687 = arith.constant 2.560000e+02 : f32
      %mul3A_688 = vector.broadcast %mul3A_687 : f32 to vector<16xf32>
      %mul3A_689 = arith.mulf %add3A_686, %mul3A_688 : vector<16xf32>
      %jit3A_690 = arith.constant -4.000000e+00 : f32
      %jit3A_691 = arith.constant 5.160000e+02 : f32
      %max3A_692 = vector.broadcast %jit3A_690 : f32 to vector<16xf32>
      %max3A_693 = arith.maximumf %max3A_692, %mul3A_683 : vector<16xf32>
      %min3A_694 = vector.broadcast %jit3A_691 : f32 to vector<16xf32>
      %min3A_695 = arith.minimumf %min3A_694, %max3A_693 : vector<16xf32>
      %jit3A_696 = arith.constant -4.000000e+00 : f32
      %jit3A_697 = arith.constant 5.160000e+02 : f32
      %max3A_698 = vector.broadcast %jit3A_696 : f32 to vector<16xf32>
      %max3A_699 = arith.maximumf %max3A_698, %mul3A_689 : vector<16xf32>
      %min3A_700 = vector.broadcast %jit3A_697 : f32 to vector<16xf32>
      %min3A_701 = arith.minimumf %min3A_700, %max3A_699 : vector<16xf32>
      %convert_element_type3A_702 = arith.fptosi %min3A_695 : vector<16xf32> to vector<16xi32>
      %convert_element_type3A_703 = arith.fptosi %min3A_701 : vector<16xf32> to vector<16xi32>
      %convert_element_type3A_704 = arith.sitofp %convert_element_type3A_702 : vector<16xi32> to vector<16xf32>
      %gt3A_705 = arith.cmpf ogt, %convert_element_type3A_704, %min3A_695 : vector<16xf32>
      %sub3A_706 = arith.constant 1 : i32
      %sub3A_707 = vector.broadcast %sub3A_706 : i32 to vector<16xi32>
      %sub3A_708 = arith.subi %convert_element_type3A_702, %sub3A_707 : vector<16xi32>
      %select_n3A_709 = arith.select %gt3A_705, %sub3A_708, %convert_element_type3A_702 : vector<16xi1>, vector<16xi32>
      %convert_element_type3A_710 = arith.sitofp %convert_element_type3A_703 : vector<16xi32> to vector<16xf32>
      %gt3A_711 = arith.cmpf ogt, %convert_element_type3A_710, %min3A_701 : vector<16xf32>
      %sub3A_712 = arith.constant 1 : i32
      %sub3A_713 = vector.broadcast %sub3A_712 : i32 to vector<16xi32>
      %sub3A_714 = arith.subi %convert_element_type3A_703, %sub3A_713 : vector<16xi32>
      %select_n3A_715 = arith.select %gt3A_711, %sub3A_714, %convert_element_type3A_703 : vector<16xi1>, vector<16xi32>
      %jit3A_716 = arith.constant 0 : i32
      %jit3A_717 = arith.constant 511 : i32
      %max3A_718 = vector.broadcast %jit3A_716 : i32 to vector<16xi32>
      %max3A_719 = arith.maxsi %max3A_718, %select_n3A_709 : vector<16xi32>
      %min3A_720 = vector.broadcast %jit3A_717 : i32 to vector<16xi32>
      %min3A_721 = arith.minsi %min3A_720, %max3A_719 : vector<16xi32>
      %add3A_722 = arith.constant 1 : i32
      %add3A_723 = vector.broadcast %add3A_722 : i32 to vector<16xi32>
      %add3A_724 = arith.addi %select_n3A_709, %add3A_723 : vector<16xi32>
      %jit3A_725 = arith.constant 0 : i32
      %jit3A_726 = arith.constant 511 : i32
      %max3A_727 = vector.broadcast %jit3A_725 : i32 to vector<16xi32>
      %max3A_728 = arith.maxsi %max3A_727, %add3A_724 : vector<16xi32>
      %min3A_729 = vector.broadcast %jit3A_726 : i32 to vector<16xi32>
      %min3A_730 = arith.minsi %min3A_729, %max3A_728 : vector<16xi32>
      %jit3A_731 = arith.constant 0 : i32
      %jit3A_732 = arith.constant 511 : i32
      %max3A_733 = vector.broadcast %jit3A_731 : i32 to vector<16xi32>
      %max3A_734 = arith.maxsi %max3A_733, %select_n3A_715 : vector<16xi32>
      %min3A_735 = vector.broadcast %jit3A_732 : i32 to vector<16xi32>
      %min3A_736 = arith.minsi %min3A_735, %max3A_734 : vector<16xi32>
      %add3A_737 = arith.constant 1 : i32
      %add3A_738 = vector.broadcast %add3A_737 : i32 to vector<16xi32>
      %add3A_739 = arith.addi %select_n3A_715, %add3A_738 : vector<16xi32>
      %jit3A_740 = arith.constant 0 : i32
      %jit3A_741 = arith.constant 511 : i32
      %max3A_742 = vector.broadcast %jit3A_740 : i32 to vector<16xi32>
      %max3A_743 = arith.maxsi %max3A_742, %add3A_739 : vector<16xi32>
      %min3A_744 = vector.broadcast %jit3A_741 : i32 to vector<16xi32>
      %min3A_745 = arith.minsi %min3A_744, %max3A_743 : vector<16xi32>
      %jit3A_746 = arith.constant 0.000000e+00 : f32
      %jit3A_747 = arith.constant 5.110000e+02 : f32
      %max3A_748 = vector.broadcast %jit3A_746 : f32 to vector<16xf32>
      %max3A_749 = arith.maximumf %max3A_748, %min3A_695 : vector<16xf32>
      %min3A_750 = vector.broadcast %jit3A_747 : f32 to vector<16xf32>
      %min3A_751 = arith.minimumf %min3A_750, %max3A_749 : vector<16xf32>
      %jit3A_752 = arith.constant 0.000000e+00 : f32
      %jit3A_753 = arith.constant 5.110000e+02 : f32
      %max3A_754 = vector.broadcast %jit3A_752 : f32 to vector<16xf32>
      %max3A_755 = arith.maximumf %max3A_754, %min3A_701 : vector<16xf32>
      %min3A_756 = vector.broadcast %jit3A_753 : f32 to vector<16xf32>
      %min3A_757 = arith.minimumf %min3A_756, %max3A_755 : vector<16xf32>
      %convert_element_type3A_758 = arith.sitofp %min3A_730 : vector<16xi32> to vector<16xf32>
      %sub3A_759 = arith.subf %convert_element_type3A_758, %min3A_751 : vector<16xf32>
      %convert_element_type3A_760 = arith.sitofp %min3A_721 : vector<16xi32> to vector<16xf32>
      %sub3A_761 = arith.subf %min3A_751, %convert_element_type3A_760 : vector<16xf32>
      %convert_element_type3A_762 = arith.sitofp %min3A_745 : vector<16xi32> to vector<16xf32>
      %sub3A_763 = arith.subf %convert_element_type3A_762, %min3A_757 : vector<16xf32>
      %convert_element_type3A_764 = arith.sitofp %min3A_736 : vector<16xi32> to vector<16xf32>
      %sub3A_765 = arith.subf %min3A_757, %convert_element_type3A_764 : vector<16xf32>
      %mul3A_766 = arith.constant 512 : i32
      %mul3A_767 = vector.broadcast %mul3A_766 : i32 to vector<16xi32>
      %mul3A_768 = arith.muli %min3A_736, %mul3A_767 : vector<16xi32>
      %add3A_769 = vector.broadcast %mul3A_107 : i32 to vector<16xi32>
      %add3A_770 = arith.addi %add3A_769, %mul3A_768 : vector<16xi32>
      %mul3A_771 = arith.constant 512 : i32
      %mul3A_772 = vector.broadcast %mul3A_771 : i32 to vector<16xi32>
      %mul3A_773 = arith.muli %min3A_745, %mul3A_772 : vector<16xi32>
      %add3A_774 = vector.broadcast %mul3A_107 : i32 to vector<16xi32>
      %add3A_775 = arith.addi %add3A_774, %mul3A_773 : vector<16xi32>
      %add3A_776 = arith.addi %add3A_770, %min3A_721 : vector<16xi32>
      %swap3A_777 = arith.constant 48 : index
      %swap3A_778 = tpu.vector_load %arg10[%swap3A_777] {strides = array<i32>} : memref<64xi32, #tpu.memory_space<vmem>>, vector<16xi32>,
      tpu.vector_store %arg10[%swap3A_777], %add3A_776 {strides = array<i32>} : memref<64xi32, #tpu.memory_space<vmem>>, vector<16xi32>,
      %add3A_779 = arith.addi %add3A_775, %min3A_721 : vector<16xi32>
      %swap3A_780 = arith.constant 48 : index
      %swap3A_781 = tpu.vector_load %arg11[%swap3A_780] {strides = array<i32>} : memref<64xi32, #tpu.memory_space<vmem>>, vector<16xi32>,
      tpu.vector_store %arg11[%swap3A_780], %add3A_779 {strides = array<i32>} : memref<64xi32, #tpu.memory_space<vmem>>, vector<16xi32>,
      %add3A_782 = arith.addi %add3A_770, %min3A_730 : vector<16xi32>
      %swap3A_783 = arith.constant 48 : index
      %swap3A_784 = tpu.vector_load %arg12[%swap3A_783] {strides = array<i32>} : memref<64xi32, #tpu.memory_space<vmem>>, vector<16xi32>,
      tpu.vector_store %arg12[%swap3A_783], %add3A_782 {strides = array<i32>} : memref<64xi32, #tpu.memory_space<vmem>>, vector<16xi32>,
      %add3A_785 = arith.addi %add3A_775, %min3A_730 : vector<16xi32>
      %swap3A_786 = arith.constant 48 : index
      %swap3A_787 = tpu.vector_load %arg13[%swap3A_786] {strides = array<i32>} : memref<64xi32, #tpu.memory_space<vmem>>, vector<16xi32>,
      tpu.vector_store %arg13[%swap3A_786], %add3A_785 {strides = array<i32>} : memref<64xi32, #tpu.memory_space<vmem>>, vector<16xi32>,
      %mul3A_788 = arith.mulf %sub3A_759, %sub3A_763 : vector<16xf32>
      %mul3A_789 = arith.mulf %sub3A_759, %sub3A_765 : vector<16xf32>
      %mul3A_790 = arith.mulf %sub3A_761, %sub3A_763 : vector<16xf32>
      %mul3A_791 = arith.mulf %sub3A_761, %sub3A_765 : vector<16xf32>
      %swap3A_792 = arith.constant 0 : i32
      %swap3A_793 = arith.index_cast %swap3A_792 : i32 to index
      %swap3A_794 = arith.constant 48 : index
      %swap3A_795 = tpu.vector_load %arg14[%swap3A_793, %swap3A_794] {strides = array<i32>} : memref<4x80xf32, #tpu.memory_space<vmem>>, vector<16xf32>,
      tpu.vector_store %arg14[%swap3A_793, %swap3A_794], %mul3A_788 {strides = array<i32>} : memref<4x80xf32, #tpu.memory_space<vmem>>, vector<16xf32>,
      %swap3A_796 = arith.constant 1 : i32
      %swap3A_797 = arith.index_cast %swap3A_796 : i32 to index
      %swap3A_798 = arith.constant 48 : index
      %swap3A_799 = tpu.vector_load %arg14[%swap3A_797, %swap3A_798] {strides = array<i32>} : memref<4x80xf32, #tpu.memory_space<vmem>>, vector<16xf32>,
      tpu.vector_store %arg14[%swap3A_797, %swap3A_798], %mul3A_789 {strides = array<i32>} : memref<4x80xf32, #tpu.memory_space<vmem>>, vector<16xf32>,
      %swap3A_800 = arith.constant 2 : i32
      %swap3A_801 = arith.index_cast %swap3A_800 : i32 to index
      %swap3A_802 = arith.constant 48 : index
      %swap3A_803 = tpu.vector_load %arg14[%swap3A_801, %swap3A_802] {strides = array<i32>} : memref<4x80xf32, #tpu.memory_space<vmem>>, vector<16xf32>,
      tpu.vector_store %arg14[%swap3A_801, %swap3A_802], %mul3A_790 {strides = array<i32>} : memref<4x80xf32, #tpu.memory_space<vmem>>, vector<16xf32>,
      %swap3A_804 = arith.constant 3 : i32
      %swap3A_805 = arith.index_cast %swap3A_804 : i32 to index
      %swap3A_806 = arith.constant 48 : index
      %swap3A_807 = tpu.vector_load %arg14[%swap3A_805, %swap3A_806] {strides = array<i32>} : memref<4x80xf32, #tpu.memory_space<vmem>>, vector<16xf32>,
      tpu.vector_store %arg14[%swap3A_805, %swap3A_806], %mul3A_791 {strides = array<i32>} : memref<4x80xf32, #tpu.memory_space<vmem>>, vector<16xf32>,
      %add3A_808 = arith.addf %mul3A_788, %mul3A_789 : vector<16xf32>
      %add3A_809 = arith.addf %mul3A_790, %mul3A_791 : vector<16xf32>
      %add3A_810 = arith.addf %add3A_808, %add3A_809 : vector<16xf32>
      %add3A_811 = arith.addf %add3A_634, %add3A_810 : vector<16xf32>
      %gt3A_812 = arith.constant 0.000000e+00 : f32
      %gt3A_813 = vector.broadcast %gt3A_812 : f32 to vector<16xf32>
      %gt3A_814 = arith.cmpf ogt, %add3A_811, %gt3A_813 : vector<16xf32>
      %all_reduce_population_count3A = tpu.all_reduce %gt3A_814 {dim = 0 : i64, kind = #tpu.reduction_kind<sum>} : vector<16xi1> -> vector<16xi32>
      %slice3A_815 = vector.extract_strided_slice %all_reduce_population_count3A {offsets = [0], sizes = [1], strides = [1]} : vector<16xi32> to vector<1xi32>
      %squeeze3A_816 = vector.extract %slice3A_815[0] : i32 from vector<1xi32>
      %gt3A_817 = arith.constant 0 : i32
      %gt3A_818 = arith.cmpi sgt, %squeeze3A_816, %gt3A_817 : i32
      %convert_element_type3A_819 = arith.extui %gt3A_818 : i1 to i32
      %cond3A = arith.constant 0 : i32
      %cond3A_820 = arith.cmpi ne, %convert_element_type3A_819, %cond3A : i32
      scf.if %cond3A_820 {
        %dma_start3A = arith.constant 0 : i32
        %dma_start3A_826 = arith.constant 0 : i32
        %dma_start3A_827 = tpu.memref_slice %arg2[%dma_start3A, %dma_start3A_826] : memref<2097152x96xf32, #tpu.memory_space<hbm>> -> memref<2097152x96xf32, #tpu.memory_space<hbm>>
        tpu.enqueue_indirect_dma source(%dma_start3A_827 : memref<2097152x96xf32, #tpu.memory_space<hbm>>) target(%arg15 : memref<64x96xf32, #tpu.memory_space<vmem>>) offsets(%arg10 : memref<64xi32, #tpu.memory_space<vmem>>) semaphore(%arg21 : memref<!tpu.dma_semaphore, #tpu.memory_space<semaphore_mem>>)
        %dma_start3A_828 = arith.constant 0 : i32
        %dma_start3A_829 = arith.constant 0 : i32
        %dma_start3A_830 = tpu.memref_slice %arg2[%dma_start3A_828, %dma_start3A_829] : memref<2097152x96xf32, #tpu.memory_space<hbm>> -> memref<2097152x96xf32, #tpu.memory_space<hbm>>
        tpu.enqueue_indirect_dma source(%dma_start3A_830 : memref<2097152x96xf32, #tpu.memory_space<hbm>>) target(%arg16 : memref<64x96xf32, #tpu.memory_space<vmem>>) offsets(%arg11 : memref<64xi32, #tpu.memory_space<vmem>>) semaphore(%arg21 : memref<!tpu.dma_semaphore, #tpu.memory_space<semaphore_mem>>)
        %dma_start3A_831 = arith.constant 0 : i32
        %dma_start3A_832 = arith.constant 0 : i32
        %dma_start3A_833 = tpu.memref_slice %arg2[%dma_start3A_831, %dma_start3A_832] : memref<2097152x96xf32, #tpu.memory_space<hbm>> -> memref<2097152x96xf32, #tpu.memory_space<hbm>>
        tpu.enqueue_indirect_dma source(%dma_start3A_833 : memref<2097152x96xf32, #tpu.memory_space<hbm>>) target(%arg17 : memref<64x96xf32, #tpu.memory_space<vmem>>) offsets(%arg12 : memref<64xi32, #tpu.memory_space<vmem>>) semaphore(%arg21 : memref<!tpu.dma_semaphore, #tpu.memory_space<semaphore_mem>>)
        %dma_start3A_834 = arith.constant 0 : i32
        %dma_start3A_835 = arith.constant 0 : i32
        %dma_start3A_836 = tpu.memref_slice %arg2[%dma_start3A_834, %dma_start3A_835] : memref<2097152x96xf32, #tpu.memory_space<hbm>> -> memref<2097152x96xf32, #tpu.memory_space<hbm>>
        tpu.enqueue_indirect_dma source(%dma_start3A_836 : memref<2097152x96xf32, #tpu.memory_space<hbm>>) target(%arg18 : memref<64x96xf32, #tpu.memory_space<vmem>>) offsets(%arg13 : memref<64xi32, #tpu.memory_space<vmem>>) semaphore(%arg21 : memref<!tpu.dma_semaphore, #tpu.memory_space<semaphore_mem>>)
        %dma_wait3A = arith.constant 0 : i32
        %dma_wait3A_837 = arith.constant 0 : i32
        %dma_wait3A_838 = tpu.memref_slice %arg2[%dma_wait3A, %dma_wait3A_837] : memref<2097152x96xf32, #tpu.memory_space<hbm>> -> memref<2097152x96xf32, #tpu.memory_space<hbm>>
        tpu.wait_indirect_dma semaphore(%arg21 : memref<!tpu.dma_semaphore, #tpu.memory_space<semaphore_mem>>) src(%dma_wait3A_838 : memref<2097152x96xf32, #tpu.memory_space<hbm>>) dst(%arg15 : memref<64x96xf32, #tpu.memory_space<vmem>>)
        %dma_wait3A_839 = arith.constant 0 : i32
        %dma_wait3A_840 = arith.constant 0 : i32
        %dma_wait3A_841 = tpu.memref_slice %arg2[%dma_wait3A_839, %dma_wait3A_840] : memref<2097152x96xf32, #tpu.memory_space<hbm>> -> memref<2097152x96xf32, #tpu.memory_space<hbm>>
        tpu.wait_indirect_dma semaphore(%arg21 : memref<!tpu.dma_semaphore, #tpu.memory_space<semaphore_mem>>) src(%dma_wait3A_841 : memref<2097152x96xf32, #tpu.memory_space<hbm>>) dst(%arg16 : memref<64x96xf32, #tpu.memory_space<vmem>>)
        %dma_wait3A_842 = arith.constant 0 : i32
        %dma_wait3A_843 = arith.constant 0 : i32
        %dma_wait3A_844 = tpu.memref_slice %arg2[%dma_wait3A_842, %dma_wait3A_843] : memref<2097152x96xf32, #tpu.memory_space<hbm>> -> memref<2097152x96xf32, #tpu.memory_space<hbm>>
        tpu.wait_indirect_dma semaphore(%arg21 : memref<!tpu.dma_semaphore, #tpu.memory_space<semaphore_mem>>) src(%dma_wait3A_844 : memref<2097152x96xf32, #tpu.memory_space<hbm>>) dst(%arg17 : memref<64x96xf32, #tpu.memory_space<vmem>>)
        %dma_wait3A_845 = arith.constant 0 : i32
        %dma_wait3A_846 = arith.constant 0 : i32
        %dma_wait3A_847 = tpu.memref_slice %arg2[%dma_wait3A_845, %dma_wait3A_846] : memref<2097152x96xf32, #tpu.memory_space<hbm>> -> memref<2097152x96xf32, #tpu.memory_space<hbm>>
        tpu.wait_indirect_dma semaphore(%arg21 : memref<!tpu.dma_semaphore, #tpu.memory_space<semaphore_mem>>) src(%dma_wait3A_847 : memref<2097152x96xf32, #tpu.memory_space<hbm>>) dst(%arg18 : memref<64x96xf32, #tpu.memory_space<vmem>>)
        %scan3A_848 = arith.constant 0 : i32
        %scan3A_849 = arith.constant 0 : i32
        %scan3A_850 = arith.constant 64 : i32
        %scan3A_851 = arith.addi %scan3A_849, %scan3A_850 : i32
        %scan3A_852 = arith.constant 1 : i32
        %scan3A_853 = scf.for %scan3A_855 = %scan3A_849 to %scan3A_851 step %scan3A_852 iter_args(%scan3A_856 = %scan3A_848) -> (i32)  : i32 {
          %get3A_857 = arith.constant 0 : i32
          %get3A_858 = arith.index_cast %get3A_857 : i32 to index
          %get3A_859 = arith.index_cast %scan3A_855 : i32 to index
          %get3A_860 = tpu.vector_load %arg14[%get3A_858, %get3A_859] {strides = array<i32>} : memref<4x80xf32, #tpu.memory_space<vmem>>, vector<16xf32>,
          %slice3A_861 = vector.extract_strided_slice %get3A_860 {offsets = [0], sizes = [1], strides = [1]} : vector<16xf32> to vector<1xf32>
          %squeeze3A_862 = vector.extract %slice3A_861[0] : f32 from vector<1xf32>
          %get3A_863 = arith.constant 1 : i32
          %get3A_864 = arith.index_cast %get3A_863 : i32 to index
          %get3A_865 = arith.index_cast %scan3A_855 : i32 to index
          %get3A_866 = tpu.vector_load %arg14[%get3A_864, %get3A_865] {strides = array<i32>} : memref<4x80xf32, #tpu.memory_space<vmem>>, vector<16xf32>,
          %slice3A_867 = vector.extract_strided_slice %get3A_866 {offsets = [0], sizes = [1], strides = [1]} : vector<16xf32> to vector<1xf32>
          %squeeze3A_868 = vector.extract %slice3A_867[0] : f32 from vector<1xf32>
          %get3A_869 = arith.constant 2 : i32
          %get3A_870 = arith.index_cast %get3A_869 : i32 to index
          %get3A_871 = arith.index_cast %scan3A_855 : i32 to index
          %get3A_872 = tpu.vector_load %arg14[%get3A_870, %get3A_871] {strides = array<i32>} : memref<4x80xf32, #tpu.memory_space<vmem>>, vector<16xf32>,
          %slice3A_873 = vector.extract_strided_slice %get3A_872 {offsets = [0], sizes = [1], strides = [1]} : vector<16xf32> to vector<1xf32>
          %squeeze3A_874 = vector.extract %slice3A_873[0] : f32 from vector<1xf32>
          %get3A_875 = arith.constant 3 : i32
          %get3A_876 = arith.index_cast %get3A_875 : i32 to index
          %get3A_877 = arith.index_cast %scan3A_855 : i32 to index
          %get3A_878 = tpu.vector_load %arg14[%get3A_876, %get3A_877] {strides = array<i32>} : memref<4x80xf32, #tpu.memory_space<vmem>>, vector<16xf32>,
          %slice3A_879 = vector.extract_strided_slice %get3A_878 {offsets = [0], sizes = [1], strides = [1]} : vector<16xf32> to vector<1xf32>
          %squeeze3A_880 = vector.extract %slice3A_879[0] : f32 from vector<1xf32>
          %get3A_881 = arith.index_cast %scan3A_855 : i32 to index
          %get3A_882 = arith.constant 0 : index
          %get3A_883 = tpu.vector_load %arg15[%get3A_881, %get3A_882] {strides = array<i32>} : memref<64x96xf32, #tpu.memory_space<vmem>>, vector<16xf32>,
          %mul3A_884 = vector.broadcast %squeeze3A_862 : f32 to vector<16xf32>
          %mul3A_885 = arith.mulf %mul3A_884, %get3A_883 : vector<16xf32>
          %get3A_886 = arith.index_cast %scan3A_855 : i32 to index
          %get3A_887 = arith.constant 0 : index
          %get3A_888 = tpu.vector_load %arg16[%get3A_886, %get3A_887] {strides = array<i32>} : memref<64x96xf32, #tpu.memory_space<vmem>>, vector<16xf32>,
          %mul3A_889 = vector.broadcast %squeeze3A_868 : f32 to vector<16xf32>
          %mul3A_890 = arith.mulf %mul3A_889, %get3A_888 : vector<16xf32>
          %add3A_891 = arith.addf %mul3A_885, %mul3A_890 : vector<16xf32>
          %get3A_892 = arith.index_cast %scan3A_855 : i32 to index
          %get3A_893 = arith.constant 0 : index
          %get3A_894 = tpu.vector_load %arg17[%get3A_892, %get3A_893] {strides = array<i32>} : memref<64x96xf32, #tpu.memory_space<vmem>>, vector<16xf32>,
          %mul3A_895 = vector.broadcast %squeeze3A_874 : f32 to vector<16xf32>
          %mul3A_896 = arith.mulf %mul3A_895, %get3A_894 : vector<16xf32>
          %add3A_897 = arith.addf %add3A_891, %mul3A_896 : vector<16xf32>
          %get3A_898 = arith.index_cast %scan3A_855 : i32 to index
          %get3A_899 = arith.constant 0 : index
          %get3A_900 = tpu.vector_load %arg18[%get3A_898, %get3A_899] {strides = array<i32>} : memref<64x96xf32, #tpu.memory_space<vmem>>, vector<16xf32>,
          %mul3A_901 = vector.broadcast %squeeze3A_880 : f32 to vector<16xf32>
          %mul3A_902 = arith.mulf %mul3A_901, %get3A_900 : vector<16xf32>
          %add3A_903 = arith.addf %add3A_897, %mul3A_902 : vector<16xf32>
          %swap3A_904 = arith.index_cast %scan3A_855 : i32 to index
          %swap3A_905 = arith.constant 0 : index
          %swap3A_906 = tpu.vector_load %arg19[%swap3A_904, %swap3A_905] {strides = array<i32>} : memref<64x96xf32, #tpu.memory_space<vmem>>, vector<16xf32>,
          tpu.vector_store %arg19[%swap3A_904, %swap3A_905], %add3A_903 {strides = array<i32>} : memref<64x96xf32, #tpu.memory_space<vmem>>, vector<16xf32>,
          %get3A_907 = arith.index_cast %scan3A_855 : i32 to index
          %get3A_908 = arith.constant 16 : index
          %get3A_909 = tpu.vector_load %arg15[%get3A_907, %get3A_908] {strides = array<i32>} : memref<64x96xf32, #tpu.memory_space<vmem>>, vector<16xf32>,
          %mul3A_910 = vector.broadcast %squeeze3A_862 : f32 to vector<16xf32>
          %mul3A_911 = arith.mulf %mul3A_910, %get3A_909 : vector<16xf32>
          %get3A_912 = arith.index_cast %scan3A_855 : i32 to index
          %get3A_913 = arith.constant 16 : index
          %get3A_914 = tpu.vector_load %arg16[%get3A_912, %get3A_913] {strides = array<i32>} : memref<64x96xf32, #tpu.memory_space<vmem>>, vector<16xf32>,
          %mul3A_915 = vector.broadcast %squeeze3A_868 : f32 to vector<16xf32>
          %mul3A_916 = arith.mulf %mul3A_915, %get3A_914 : vector<16xf32>
          %add3A_917 = arith.addf %mul3A_911, %mul3A_916 : vector<16xf32>
          %get3A_918 = arith.index_cast %scan3A_855 : i32 to index
          %get3A_919 = arith.constant 16 : index
          %get3A_920 = tpu.vector_load %arg17[%get3A_918, %get3A_919] {strides = array<i32>} : memref<64x96xf32, #tpu.memory_space<vmem>>, vector<16xf32>,
          %mul3A_921 = vector.broadcast %squeeze3A_874 : f32 to vector<16xf32>
          %mul3A_922 = arith.mulf %mul3A_921, %get3A_920 : vector<16xf32>
          %add3A_923 = arith.addf %add3A_917, %mul3A_922 : vector<16xf32>
          %get3A_924 = arith.index_cast %scan3A_855 : i32 to index
          %get3A_925 = arith.constant 16 : index
          %get3A_926 = tpu.vector_load %arg18[%get3A_924, %get3A_925] {strides = array<i32>} : memref<64x96xf32, #tpu.memory_space<vmem>>, vector<16xf32>,
          %mul3A_927 = vector.broadcast %squeeze3A_880 : f32 to vector<16xf32>
          %mul3A_928 = arith.mulf %mul3A_927, %get3A_926 : vector<16xf32>
          %add3A_929 = arith.addf %add3A_923, %mul3A_928 : vector<16xf32>
          %swap3A_930 = arith.index_cast %scan3A_855 : i32 to index
          %swap3A_931 = arith.constant 16 : index
          %swap3A_932 = tpu.vector_load %arg19[%swap3A_930, %swap3A_931] {strides = array<i32>} : memref<64x96xf32, #tpu.memory_space<vmem>>, vector<16xf32>,
          tpu.vector_store %arg19[%swap3A_930, %swap3A_931], %add3A_929 {strides = array<i32>} : memref<64x96xf32, #tpu.memory_space<vmem>>, vector<16xf32>,
          %get3A_933 = arith.index_cast %scan3A_855 : i32 to index
          %get3A_934 = arith.constant 32 : index
          %get3A_935 = tpu.vector_load %arg15[%get3A_933, %get3A_934] {strides = array<i32>} : memref<64x96xf32, #tpu.memory_space<vmem>>, vector<16xf32>,
          %mul3A_936 = vector.broadcast %squeeze3A_862 : f32 to vector<16xf32>
          %mul3A_937 = arith.mulf %mul3A_936, %get3A_935 : vector<16xf32>
          %get3A_938 = arith.index_cast %scan3A_855 : i32 to index
          %get3A_939 = arith.constant 32 : index
          %get3A_940 = tpu.vector_load %arg16[%get3A_938, %get3A_939] {strides = array<i32>} : memref<64x96xf32, #tpu.memory_space<vmem>>, vector<16xf32>,
          %mul3A_941 = vector.broadcast %squeeze3A_868 : f32 to vector<16xf32>
          %mul3A_942 = arith.mulf %mul3A_941, %get3A_940 : vector<16xf32>
          %add3A_943 = arith.addf %mul3A_937, %mul3A_942 : vector<16xf32>
          %get3A_944 = arith.index_cast %scan3A_855 : i32 to index
          %get3A_945 = arith.constant 32 : index
          %get3A_946 = tpu.vector_load %arg17[%get3A_944, %get3A_945] {strides = array<i32>} : memref<64x96xf32, #tpu.memory_space<vmem>>, vector<16xf32>,
          %mul3A_947 = vector.broadcast %squeeze3A_874 : f32 to vector<16xf32>
          %mul3A_948 = arith.mulf %mul3A_947, %get3A_946 : vector<16xf32>
          %add3A_949 = arith.addf %add3A_943, %mul3A_948 : vector<16xf32>
          %get3A_950 = arith.index_cast %scan3A_855 : i32 to index
          %get3A_951 = arith.constant 32 : index
          %get3A_952 = tpu.vector_load %arg18[%get3A_950, %get3A_951] {strides = array<i32>} : memref<64x96xf32, #tpu.memory_space<vmem>>, vector<16xf32>,
          %mul3A_953 = vector.broadcast %squeeze3A_880 : f32 to vector<16xf32>
          %mul3A_954 = arith.mulf %mul3A_953, %get3A_952 : vector<16xf32>
          %add3A_955 = arith.addf %add3A_949, %mul3A_954 : vector<16xf32>
          %swap3A_956 = arith.index_cast %scan3A_855 : i32 to index
          %swap3A_957 = arith.constant 32 : index
          %swap3A_958 = tpu.vector_load %arg19[%swap3A_956, %swap3A_957] {strides = array<i32>} : memref<64x96xf32, #tpu.memory_space<vmem>>, vector<16xf32>,
          tpu.vector_store %arg19[%swap3A_956, %swap3A_957], %add3A_955 {strides = array<i32>} : memref<64x96xf32, #tpu.memory_space<vmem>>, vector<16xf32>,
          %get3A_959 = arith.index_cast %scan3A_855 : i32 to index
          %get3A_960 = arith.constant 48 : index
          %get3A_961 = tpu.vector_load %arg15[%get3A_959, %get3A_960] {strides = array<i32>} : memref<64x96xf32, #tpu.memory_space<vmem>>, vector<16xf32>,
          %mul3A_962 = vector.broadcast %squeeze3A_862 : f32 to vector<16xf32>
          %mul3A_963 = arith.mulf %mul3A_962, %get3A_961 : vector<16xf32>
          %get3A_964 = arith.index_cast %scan3A_855 : i32 to index
          %get3A_965 = arith.constant 48 : index
          %get3A_966 = tpu.vector_load %arg16[%get3A_964, %get3A_965] {strides = array<i32>} : memref<64x96xf32, #tpu.memory_space<vmem>>, vector<16xf32>,
          %mul3A_967 = vector.broadcast %squeeze3A_868 : f32 to vector<16xf32>
          %mul3A_968 = arith.mulf %mul3A_967, %get3A_966 : vector<16xf32>
          %add3A_969 = arith.addf %mul3A_963, %mul3A_968 : vector<16xf32>
          %get3A_970 = arith.index_cast %scan3A_855 : i32 to index
          %get3A_971 = arith.constant 48 : index
          %get3A_972 = tpu.vector_load %arg17[%get3A_970, %get3A_971] {strides = array<i32>} : memref<64x96xf32, #tpu.memory_space<vmem>>, vector<16xf32>,
          %mul3A_973 = vector.broadcast %squeeze3A_874 : f32 to vector<16xf32>
          %mul3A_974 = arith.mulf %mul3A_973, %get3A_972 : vector<16xf32>
          %add3A_975 = arith.addf %add3A_969, %mul3A_974 : vector<16xf32>
          %get3A_976 = arith.index_cast %scan3A_855 : i32 to index
          %get3A_977 = arith.constant 48 : index
          %get3A_978 = tpu.vector_load %arg18[%get3A_976, %get3A_977] {strides = array<i32>} : memref<64x96xf32, #tpu.memory_space<vmem>>, vector<16xf32>,
          %mul3A_979 = vector.broadcast %squeeze3A_880 : f32 to vector<16xf32>
          %mul3A_980 = arith.mulf %mul3A_979, %get3A_978 : vector<16xf32>
          %add3A_981 = arith.addf %add3A_975, %mul3A_980 : vector<16xf32>
          %swap3A_982 = arith.index_cast %scan3A_855 : i32 to index
          %swap3A_983 = arith.constant 48 : index
          %swap3A_984 = tpu.vector_load %arg19[%swap3A_982, %swap3A_983] {strides = array<i32>} : memref<64x96xf32, #tpu.memory_space<vmem>>, vector<16xf32>,
          tpu.vector_store %arg19[%swap3A_982, %swap3A_983], %add3A_981 {strides = array<i32>} : memref<64x96xf32, #tpu.memory_space<vmem>>, vector<16xf32>,
          %get3A_985 = arith.index_cast %scan3A_855 : i32 to index
          %get3A_986 = arith.constant 64 : index
          %get3A_987 = tpu.vector_load %arg15[%get3A_985, %get3A_986] {strides = array<i32>} : memref<64x96xf32, #tpu.memory_space<vmem>>, vector<16xf32>,
          %mul3A_988 = vector.broadcast %squeeze3A_862 : f32 to vector<16xf32>
          %mul3A_989 = arith.mulf %mul3A_988, %get3A_987 : vector<16xf32>
          %get3A_990 = arith.index_cast %scan3A_855 : i32 to index
          %get3A_991 = arith.constant 64 : index
          %get3A_992 = tpu.vector_load %arg16[%get3A_990, %get3A_991] {strides = array<i32>} : memref<64x96xf32, #tpu.memory_space<vmem>>, vector<16xf32>,
          %mul3A_993 = vector.broadcast %squeeze3A_868 : f32 to vector<16xf32>
          %mul3A_994 = arith.mulf %mul3A_993, %get3A_992 : vector<16xf32>
          %add3A_995 = arith.addf %mul3A_989, %mul3A_994 : vector<16xf32>
          %get3A_996 = arith.index_cast %scan3A_855 : i32 to index
          %get3A_997 = arith.constant 64 : index
          %get3A_998 = tpu.vector_load %arg17[%get3A_996, %get3A_997] {strides = array<i32>} : memref<64x96xf32, #tpu.memory_space<vmem>>, vector<16xf32>,
          %mul3A_999 = vector.broadcast %squeeze3A_874 : f32 to vector<16xf32>
          %mul3A_1000 = arith.mulf %mul3A_999, %get3A_998 : vector<16xf32>
          %add3A_1001 = arith.addf %add3A_995, %mul3A_1000 : vector<16xf32>
          %get3A_1002 = arith.index_cast %scan3A_855 : i32 to index
          %get3A_1003 = arith.constant 64 : index
          %get3A_1004 = tpu.vector_load %arg18[%get3A_1002, %get3A_1003] {strides = array<i32>} : memref<64x96xf32, #tpu.memory_space<vmem>>, vector<16xf32>,
          %mul3A_1005 = vector.broadcast %squeeze3A_880 : f32 to vector<16xf32>
          %mul3A_1006 = arith.mulf %mul3A_1005, %get3A_1004 : vector<16xf32>
          %add3A_1007 = arith.addf %add3A_1001, %mul3A_1006 : vector<16xf32>
          %swap3A_1008 = arith.index_cast %scan3A_855 : i32 to index
          %swap3A_1009 = arith.constant 64 : index
          %swap3A_1010 = tpu.vector_load %arg19[%swap3A_1008, %swap3A_1009] {strides = array<i32>} : memref<64x96xf32, #tpu.memory_space<vmem>>, vector<16xf32>,
          tpu.vector_store %arg19[%swap3A_1008, %swap3A_1009], %add3A_1007 {strides = array<i32>} : memref<64x96xf32, #tpu.memory_space<vmem>>, vector<16xf32>,
          %get3A_1011 = arith.index_cast %scan3A_855 : i32 to index
          %get3A_1012 = arith.constant 80 : index
          %get3A_1013 = tpu.vector_load %arg15[%get3A_1011, %get3A_1012] {strides = array<i32>} : memref<64x96xf32, #tpu.memory_space<vmem>>, vector<16xf32>,
          %mul3A_1014 = vector.broadcast %squeeze3A_862 : f32 to vector<16xf32>
          %mul3A_1015 = arith.mulf %mul3A_1014, %get3A_1013 : vector<16xf32>
          %get3A_1016 = arith.index_cast %scan3A_855 : i32 to index
          %get3A_1017 = arith.constant 80 : index
          %get3A_1018 = tpu.vector_load %arg16[%get3A_1016, %get3A_1017] {strides = array<i32>} : memref<64x96xf32, #tpu.memory_space<vmem>>, vector<16xf32>,
          %mul3A_1019 = vector.broadcast %squeeze3A_868 : f32 to vector<16xf32>
          %mul3A_1020 = arith.mulf %mul3A_1019, %get3A_1018 : vector<16xf32>
          %add3A_1021 = arith.addf %mul3A_1015, %mul3A_1020 : vector<16xf32>
          %get3A_1022 = arith.index_cast %scan3A_855 : i32 to index
          %get3A_1023 = arith.constant 80 : index
          %get3A_1024 = tpu.vector_load %arg17[%get3A_1022, %get3A_1023] {strides = array<i32>} : memref<64x96xf32, #tpu.memory_space<vmem>>, vector<16xf32>,
          %mul3A_1025 = vector.broadcast %squeeze3A_874 : f32 to vector<16xf32>
          %mul3A_1026 = arith.mulf %mul3A_1025, %get3A_1024 : vector<16xf32>
          %add3A_1027 = arith.addf %add3A_1021, %mul3A_1026 : vector<16xf32>
          %get3A_1028 = arith.index_cast %scan3A_855 : i32 to index
          %get3A_1029 = arith.constant 80 : index
          %get3A_1030 = tpu.vector_load %arg18[%get3A_1028, %get3A_1029] {strides = array<i32>} : memref<64x96xf32, #tpu.memory_space<vmem>>, vector<16xf32>,
          %mul3A_1031 = vector.broadcast %squeeze3A_880 : f32 to vector<16xf32>
          %mul3A_1032 = arith.mulf %mul3A_1031, %get3A_1030 : vector<16xf32>
          %add3A_1033 = arith.addf %add3A_1027, %mul3A_1032 : vector<16xf32>
          %swap3A_1034 = arith.index_cast %scan3A_855 : i32 to index
          %swap3A_1035 = arith.constant 80 : index
          %swap3A_1036 = tpu.vector_load %arg19[%swap3A_1034, %swap3A_1035] {strides = array<i32>} : memref<64x96xf32, #tpu.memory_space<vmem>>, vector<16xf32>,
          tpu.vector_store %arg19[%swap3A_1034, %swap3A_1035], %add3A_1033 {strides = array<i32>} : memref<64x96xf32, #tpu.memory_space<vmem>>, vector<16xf32>,
          %scan3A_1037 = arith.constant 0 : i32
          scf.yield %scan3A_1037 : i32
        }
        %scan3A_854 = arith.constant 64 : i32
        "tpu.region"() ({
          %run_scoped3A = tpu.sem_alloc : memref<!tpu.dma_semaphore, #tpu.memory_space<semaphore_mem>>
          %dma_start3A_855 = arith.constant 0 : i32
          %dma_start3A_856 = tpu.memref_slice %arg6[%add3A_48, %dma_start3A_855] : memref<2097152x96xf32, #tpu.memory_space<hbm>> -> memref<64x96xf32, #tpu.memory_space<hbm>>
          %dma_start3A_857 = arith.constant 0 : i32
          %dma_start3A_858 = tpu.memref_slice %arg6[%add3A_48, %dma_start3A_857] : memref<2097152x96xf32, #tpu.memory_space<hbm>> -> memref<64x96xf32, #tpu.memory_space<hbm>>
          tpu.enqueue_dma source(%arg19 : memref<64x96xf32, #tpu.memory_space<vmem>>) target(%dma_start3A_858 : memref<64x96xf32, #tpu.memory_space<hbm>>) target_semaphore(%run_scoped3A : memref<!tpu.dma_semaphore, #tpu.memory_space<semaphore_mem>>)
          %dma_wait3A_859 = arith.constant 0 : i32
          %dma_wait3A_860 = tpu.memref_slice %arg6[%add3A_48, %dma_wait3A_859] : memref<2097152x96xf32, #tpu.memory_space<hbm>> -> memref<64x96xf32, #tpu.memory_space<hbm>>
          %dma_wait3A_861 = arith.constant 0 : i32
          %dma_wait3A_862 = tpu.memref_slice %arg6[%add3A_48, %dma_wait3A_861] : memref<2097152x96xf32, #tpu.memory_space<hbm>> -> memref<64x96xf32, #tpu.memory_space<hbm>>
          tpu.wait_dma2 semaphore(%run_scoped3A : memref<!tpu.dma_semaphore, #tpu.memory_space<semaphore_mem>>) src(%arg19 : memref<64x96xf32, #tpu.memory_space<vmem>>) dst(%dma_wait3A_862 : memref<64x96xf32, #tpu.memory_space<hbm>>)
          tpu.yield
        }) : () -> ()
      } else {
      }
      %not3A = arith.constant true
      %not3A_821 = arith.xori %gt3A_818, %not3A : i1
      %convert_element_type3A_822 = arith.extui %not3A_821 : i1 to i32
      %cond3A_823 = arith.constant 0 : i32
      %cond3A_824 = arith.cmpi ne, %convert_element_type3A_822, %cond3A_823 : i32
      scf.if %cond3A_824 {
        "tpu.region"() ({
          %run_scoped3A = tpu.sem_alloc : memref<!tpu.dma_semaphore, #tpu.memory_space<semaphore_mem>>
          %dma_start3A = arith.constant 0 : i32
          %dma_start3A_826 = tpu.memref_slice %arg6[%add3A_48, %dma_start3A] : memref<2097152x96xf32, #tpu.memory_space<hbm>> -> memref<64x96xf32, #tpu.memory_space<hbm>>
          %dma_start3A_827 = arith.constant 0 : i32
          %dma_start3A_828 = tpu.memref_slice %arg6[%add3A_48, %dma_start3A_827] : memref<2097152x96xf32, #tpu.memory_space<hbm>> -> memref<64x96xf32, #tpu.memory_space<hbm>>
          tpu.enqueue_dma source(%arg20 : memref<64x96xf32, #tpu.memory_space<vmem>>) target(%dma_start3A_828 : memref<64x96xf32, #tpu.memory_space<hbm>>) target_semaphore(%run_scoped3A : memref<!tpu.dma_semaphore, #tpu.memory_space<semaphore_mem>>)
          %dma_wait3A = arith.constant 0 : i32
          %dma_wait3A_829 = tpu.memref_slice %arg6[%add3A_48, %dma_wait3A] : memref<2097152x96xf32, #tpu.memory_space<hbm>> -> memref<64x96xf32, #tpu.memory_space<hbm>>
          %dma_wait3A_830 = arith.constant 0 : i32
          %dma_wait3A_831 = tpu.memref_slice %arg6[%add3A_48, %dma_wait3A_830] : memref<2097152x96xf32, #tpu.memory_space<hbm>> -> memref<64x96xf32, #tpu.memory_space<hbm>>
          tpu.wait_dma2 semaphore(%run_scoped3A : memref<!tpu.dma_semaphore, #tpu.memory_space<semaphore_mem>>) src(%arg20 : memref<64x96xf32, #tpu.memory_space<vmem>>) dst(%dma_wait3A_831 : memref<64x96xf32, #tpu.memory_space<hbm>>)
          tpu.yield
        }) : () -> ()
      } else {
      }
      %scan3A_825 = arith.constant 0 : i32
      scf.yield %scan3A_825 : i32
    }
    %scan3A_43 = arith.constant 1024 : i32
    return
  }
}

</mosaic_0001>

<sc_bundles>
// kernel: kernel.3.cloned.1.call-start
scs
__scs_entry_jumppad:
0x0: {  	(pc) =	sbr.rel $0x88, $3  }
0x1: {  	(tag) =	ssettag $0x0;
	lr =	simm.s32 $0x1  }
0x2: {  	[smem:$0x3F9F] =	sst lr;
	_ =	strace $0xD0000000  }
0x3: {  	_ = 	snop  }
0x4: {  	_ = 	snop  }
0x5: {  	_ = 	snop  }
0x6: {  	_ = 	snop  }
0x7: {  	_ = 	snop  }
__scs_overlays_trampoline_lowered:
0x8: {  	[smem:$0x3FAE] =	sst s0  }
0x9: {  	[smem:$0x3FAF] =	sst s1  }
0xa: {  	[smem:$0x3FB0] =	sst s2  }
0xb: {  	[smem:$0x3FB1] =	sst s3  }
0xc: {  	[smem:$0x3FB2] =	sst s4  }
0xd: {  	[smem:$0x3FB3] =	sst s5  }
0xe: {  	[smem:$0x3FB4] =	sst s6  }
0xf: {  	[smem:$0x3FB5] =	sst s7  }
0x10: {  	[smem:$0x3FB6] =	sst s8  }
0x11: {  	[smem:$0x3FB7] =	sst s9;
	s0 =	simm.s32 @!p0 $0x0  }
0x12: {  	s1 =	sld [smem:$0x3F9D];
	s0 =	simm.s32 @p0 $0x1  }
0x13: {  	[smem:$0x3FB8] =	sst s0;
	s0 =	simm.s32 @!p1 $0x0  }
0x14: {  	s2 =	sld [smem:$0x3F9C];
	s0 =	simm.s32 @p1 $0x1  }
0x15: {  	[smem:$0x3FB9] =	sst s0;
	s0 =	simm.s32 @!p2 $0x0  }
0x16: {  	s3 =	sld [smem:$0x3FDB];
	s0 =	simm.s32 @p2 $0x1  }
0x17: {  	s4 =	simm.s32 $0x1BF5;
	[smem:$0x3FBB] =	sst s0  }
0x18: {  	s0 =	sld [smem:$0x3F9E];
	_ =	swait.ge [sflag:s4], $0x0  }
0x19: {  	s7 =	sld [smem:$0x3F9F]  }
0x1a: {  	s8 =	sadd.s32 $0xFFFFE003, lr  }
0x1b: {  	s9 =	sadd.s32 $0xFFFFFEF7, lr;
	s5 =	simm.s32 $0xFFFFFFFF;
	p2 =	slt.u32 s8, $0xFFFFF086  }
0x1c: {  	p1 =	slt.u32 s9, $0xF7A;
	s5 =	simm.s32 @!p2 $0x0  }
0x1d: {  	s5 =	simm.s32 @p1 $0x1;
	p0 =	seq.s32 s7, s2  }
0x1e: {  	s7 =	smul.u32 @!p0 $0xF7A, s2;
	p2 =	seq.s32 @!p0 s5, $0x0  }
0x1f: {  	s9 =	smul.u32 $0xF7A, s1;
	s8 =	simm.s32 @!p0 $0x1BF5;
	p2 =	por !p2, p0  }
0x20: {  	[sflag:s8] =	ssyncset.s32 @!p0 $0xFFFFF086;
	s6 =	sadd.s32 @!p0 s3, s7;
	s7 =	simm.s32 @!p0 $0x108  }
0x21: {  	s3 =	sadd.s32 s3, s9;
	s6 =	sadd.s32 @!p0 $0x88, s6;
	s7 =	simm.s32 @p2 $0x1082  }
0x22: {  	[simem:s7], [sflag:s8] =	dma.local @!p0 [hbm:s6], $0xF7A  }
0x23: {  	s9 =	sor.u32 $0xD0000000, s2;
	s6 =	simm.s32 $0x108;
	_ =	swait.ge @!p0 [sflag:s8], $0x0  }
0x24: {  	s3 =	sadd.s32 $0x88, s3;
	s6 =	simm.s32 @!p1 $0x1082;
	[sflag:s4] =	ssyncset.s32 $0xFFFFF086  }
0x25: {  	[simem:s6], [sflag:s4] =	dma.local [hbm:s3], $0xF7A  }
0x26: {  	[smem:$0x3F9F] =	sst s1;
	(tag) =	ssettag s2;
	_ =	strace s9  }
0x27: {  	s1 =	sld [smem:$0x3FAF]  }
0x28: {  	s2 =	sld [smem:$0x3FB0]  }
0x29: {  	s4 =	sld [smem:$0x3FB2]  }
0x2a: {  	p0 =	seq.s32 s5, $0x0;
	s5 =	sld [smem:$0x3FB3]  }
0x2b: {  	s6 =	sld [smem:$0x3FB4]  }
0x2c: {  	s7 =	sld [smem:$0x3FB5]  }
0x2d: {  	s3 =	simm.s32 $0x108;
	s8 =	sld [smem:$0x3FB6]  }
0x2e: {  	s3 =	simm.s32 @!p0 $0x1082;
	s9 =	sld [smem:$0x3FB7]  }
0x2f: {  	lr =	sadd.s32 s0, s3;
	s0 =	sld [smem:$0x3FAE]  }
0x30: {  	s3 =	sld [smem:$0x3FB1]  }
0x31: {  	[smem:$0x3FBA] =	sst s10  }
0x32: {  	s10 =	sld [smem:$0x3FB8];
	_ =	sdelay $0x3  }
0x33: {  	p0 =	seq.s32 s10, $0x1;
	s10 =	sld [smem:$0x3FBA];
	_ =	sdelay $0x3  }
0x34: {  	[smem:$0x3FBA] =	sst s10  }
0x35: {  	s10 =	sld [smem:$0x3FB9];
	_ =	sdelay $0x3  }
0x36: {  	p1 =	seq.s32 s10, $0x1;
	s10 =	sld [smem:$0x3FBA];
	_ =	sdelay $0x3  }
0x37: {  	[smem:$0x3FBA] =	sst s10  }
0x38: {  	s10 =	sld [smem:$0x3FBB]  }
0x39: {  	_ = 	snop;
	(pc) =	sbr.ind lr, $3  }
0x3a: {  	_ = 	snop  }
0x3b: {  	_ = 	snop  }
0x3c: {  	p2 =	seq.s32 s10, $0x1;
	s10 =	sld [smem:$0x3FBA]  }
0x3d: {  	_ =	shalt  }
0x3e: {  	_ =	shalt  }
0x3f: {  	_ =	shalt  }
0x40: {  	_ =	shalt  }
0x41: {  	_ =	shalt  }
0x42: {  	_ =	shalt  }
0x43: {  	_ =	shalt  }
0x44: {  	_ =	shalt  }
0x45: {  	_ =	shalt  }
0x46: {  	_ =	shalt  }
0x47: {  	_ =	shalt  }
0x48: {  	_ =	shalt  }
0x49: {  	_ =	shalt  }
0x4a: {  	_ =	shalt  }
0x4b: {  	_ =	shalt  }
0x4c: {  	_ =	shalt  }
0x4d: {  	_ =	shalt  }
0x4e: {  	_ =	shalt  }
0x4f: {  	_ =	shalt  }
0x50: {  	_ =	shalt  }
0x51: {  	_ =	shalt  }
0x52: {  	_ =	shalt  }
0x53: {  	_ =	shalt  }
0x54: {  	_ =	shalt  }
0x55: {  	_ =	shalt  }
0x56: {  	_ =	shalt  }
0x57: {  	_ =	shalt  }
0x58: {  	_ =	shalt  }
0x59: {  	_ =	shalt  }
0x5a: {  	_ =	shalt  }
0x5b: {  	_ =	shalt  }
0x5c: {  	_ =	shalt  }
0x5d: {  	_ =	shalt  }
0x5e: {  	_ =	shalt  }
0x5f: {  	_ =	shalt  }
0x60: {  	_ =	shalt  }
0x61: {  	_ =	shalt  }
0x62: {  	_ =	shalt  }
0x63: {  	_ =	shalt  }
0x64: {  	_ =	shalt  }
0x65: {  	_ =	shalt  }
0x66: {  	_ =	shalt  }
0x67: {  	_ =	shalt  }
0x68: {  	_ =	shalt  }
0x69: {  	_ =	shalt  }
0x6a: {  	_ =	shalt  }
0x6b: {  	_ =	shalt  }
0x6c: {  	_ =	shalt  }
0x6d: {  	_ =	shalt  }
0x6e: {  	_ =	shalt  }
0x6f: {  	_ =	shalt  }
0x70: {  	_ =	shalt  }
0x71: {  	_ =	shalt  }
0x72: {  	_ =	shalt  }
0x73: {  	_ =	shalt  }
0x74: {  	_ =	shalt  }
0x75: {  	_ =	shalt  }
0x76: {  	_ =	shalt  }
0x77: {  	_ =	shalt  }
0x78: {  	_ =	shalt  }
0x79: {  	_ =	shalt  }
0x7a: {  	_ =	shalt  }
0x7b: {  	_ =	shalt  }
0x7c: {  	_ =	shalt  }
0x7d: {  	_ =	shalt  }
0x7e: {  	_ =	shalt  }
0x7f: {  	_ =	shalt  }
0x80: {  	_ =	shalt  }
0x81: {  	_ =	shalt  }
0x82: {  	_ =	shalt  }
0x83: {  	_ =	shalt  }
0x84: {  	_ =	shalt  }
0x85: {  	_ =	shalt  }
0x86: {  	_ =	shalt  }
0x87: {  	_ =	shalt  }
.Lfunc_end0:
.L_simem_size_0:
called_computation.1_lowered:
.L_overlay_start_0:
0x88: {  	s2 =	sld [smem:$0x3FD9]  }
0x89: {  	s3 =	sld [smem:$0x3FFE];
	_ =	sdelay $0x1  }
0x8a: {  	s1 =	srdreg.scid  }
0x8b: {  	s0 =	sand.u32 $0x1, s1  }
0x8c: {  	s17 =	sshll.u32 s0, $0xA;
	s2 =	sadd.s32 s3, s2  }
0x8d: {  	s2 =	sadd.s32 s2, s17  }
0x8e: {  	[smem:$0x3FC6] =	sst s2  }
0x8f: {  	_ = 	snop  }
0x90: {  	s2 =	sld [smem:$0x3FD0];
	(tm) =	ssettm $0x1  }
0x91: {  	s18 =	sld [smem:$0x3FFB];
	_ =	sdelay $0x3  }
0x92: {  	_ =	strace s18  }
0x93: {  	s3 =	sld [smem:$0x3FFC];
	_ =	sdelay $0x3  }
0x94: {  	_ =	strace s3  }
0x95: {  	s3 =	sld [smem:$0x3FFD];
	_ =	sdelay $0x3  }
0x96: {  	_ =	strace s3  }
0x97: {  	_ =	strace $0x8FFFFFFF  }
0x98: {  	s19 =	sld [smem:$0x3FDB];
	_ =	sdelay $0x1  }
0x99: {  	s4 =	simm.s32 $_scs_section_size  }
0x9a: {  	s5 =	simm.s32 $_size__tile_overlayer_lowered;
	s6 =	simm.s32 $_tile_overlayer_lowered  }
0x9b: {  	s22 =	simm.s32 $0x1BFF;
	s21 =	sshll.u32 s6, $0x1;
	s3 =	sadd.s32 s4, s19  }
0x9c: {  	s7 =	simm.s32 $0x0;
	s20 =	sshll.u32 s5, $0x1;
	s5 =	sadd.s32 s21, s3  }
0x9d: {  	[timem:s7], [sflag:s22] =	dma.local [hbm:s5], s20  }
0x9e: {  	_ =	swait.ge [sflag:s22], s20  }
0x9f: {  	s4 =	ssub.s32 $0x0, s20;
	[sflag:s22] =	ssyncset.done $0x0  }
0xa0: {  	[sflag:s22] =	ssyncadd.s32 s4;
	_ =	sdelay $0x1  }
0xa1: {  	s23 =	simm.s32 $0x1B8B  }
0xa2: {  	_ =	swait.ge [sflag:s23], $0x1  }
0xa3: {  	[sflag:s23] =	ssyncset.done $0x0  }
0xa4: {  	s25 =	simm.s32 $0x1B8E;
	s24 =	sld [smem:$0x3FFE];
	[sflag:s23] =	ssyncadd.s32 $0xFFFFFFFF  }
0xa5: {  	s26 =	simm.s32 $execute0_lowered;
	[smem:$0x3FD2] =	sst s25  }
0xa6: {  	s5 =	sshll.u32 s26, $0x1;
	_ =	strace $0x80000046;
	[dreg:$0x1] =	wrdreg $0xFFFFFFFF  }
0xa7: {  	s28 =	simm.s32 $_size_execute0_lowered;
	s3 =	sadd.s32 s3, s5;
	[dreg:$0x0] =	wrdreg $0x0  }
0xa8: {  	s5 =	sshll.u32 s28, $0x1;
	[dreg:$0x2] =	wrdreg s3  }
0xa9: {  	[dreg:$0x3] =	wrdreg s5  }
0xaa: {  	[dreg:$0x4] =	wrdreg $0xC0  }
0xab: {  	_ =	task [dreg:s7], $0x5FFFF  }
0xac: {  	[dreg:$0x1] =	wrdreg $0xFFFFFFFF  }
0xad: {  	[dreg:$0x0] =	wrdreg $0x60  }
0xae: {  	[dreg:$0x2] =	wrdreg s2  }
0xaf: {  	[dreg:$0x3] =	wrdreg s24  }
0xb0: {  	[dreg:$0x4] =	wrdreg $0x9  }
0xb1: {  	_ =	task.clear_ibuf [dreg:s7], $0x5FFFF;
	_ =	strace $0x90000046  }
0xb2: {  	s29 =	simm.s32 $0x9;
	_ =	strace $0x80000048  }
0xb3: {  	_ =	swait.ge [sflag:s29], $0x1  }
0xb4: {  	[sflag:s29] =	ssyncadd.s32 $0xFFFFFFFF  }
0xb5: {  	_ =	strace $0x90000048  }
0xb6: {  	_ =	sfence  }
0xb7: {  	s30 =	sld [smem:$0x0];
	_ =	sdelay $0x2  }
0xb8: {  	s31 =	sshll.u32 s1, $0xD;
	s1 =	sshrl.u32 s1, $0x2  }
0xb9: {  	s3 =	sand.u32 $0x4000, s31;
	s1 =	sadd.s32 s1, s30  }
0xba: {  	s0 =	sor.u32 s3, s0;
	s1 =	sshll.u32 s1, $0x11  }
0xbb: {  	s0 =	sor.u32 s1, s0  }
0xbc: {  	s0 =	sadd.s32 $0x8F2B, s0  }
0xbd: {  	[sflag:s0] =	ssyncadd.remote.s32 $0x1  }
0xbe: {  	_ =	sfence.sel $0xFFFF  }
0xbf: {  	[dreg:$0x0] =	wrdreg $0xFFFFFFFF;
	(pc) =	sbr.abs _section_cstart, $3  }
0xc0: {  	[dreg:$0x1] =	wrdreg $0xFFFFFFFF  }
0xc1: {  	_ =	task.clear_ibuf [dreg:s7], $0x2FFFF;
	_ =	strace $0x9FFFFFFF  }
0xc2: {  	(tm) =	ssettm $0x7FFFFFFF  }
0xc3: {  	_ =	shalt  }
tec
execute0_lowered:
.L_overlay_start_1:
0x0: {  	(tag) =	ssettag $0x1  }
0x1: {  	s1 =	rddreg [dreg:$0x0]  }
0x2: {  	s0 =	rddreg [dreg:$0x1]  }
0x3: {  	s2 =	simm.s32 $0x0;
	s3 =	srdreg.scid;
	s6 =	stileid.u32  }
0x4: {  	s10 =	simm.s32 $0x2;
	s14 =	simm.s32 $0x1;
	s15 =	simm.s32 $0x40  }
0x5: {  	s16 =	simm.s32 $0x2280;
	s17 =	simm.s32 $0x24C0;
	s18 =	simm.s32 $0x22C0  }
0x6: {  	s19 =	simm.s32 $0x3CC0;
	s20 =	simm.s32 $0x2300;
	s21 =	simm.s32 $0x54C0  }
0x7: {  	s22 =	simm.s32 $0x2340;
	[smem:$0x7FF] =	sst s2;
	s3 =	sand.u32 $0x1, s3  }
0x8: {  	s4 =	sadd.s32 $0xA00, s0;
	s5 =	sadd.s32 $0xC00, s0;
	s24 =	sadd.s32 $0x1000, s0  }
0x9: {  	s7 =	sadd.s32 $0x1400, s0;
	_ =	strace $0x80000047;
	[dreg:$0x3] =	wrdreg s4  }
0xa: {  	s28 =	sshll.u32 s6, $0x11;
	s29 =	sshrl.u32 s6, $0x1;
	[dreg:$0x4] =	wrdreg s5  }
.Ltmp0:
0xb: {  	s23 =	ssub.s32 $0x2, s3;
	[dreg:$0x5] =	wrdreg s24;
	(pc) =	sbr.rel .LBB2_1-.Ltmp0, $4  }
0xc: {  	s3 =	sshll.u32 s3, $0x10;
	s30 =	sshll.u32 s29, $0x6;
	s31 =	sshll.u32 s29, $0x12  }
0xd: {  	s24 =	simm.s32 $0x84C0;
	s25 =	sshrl.u32 s23, $0x1;
	s8 =	sor.u32 s3, s28  }
0xe: {  	s13 =	sshrl.u32 s30, $0x2;
	s26 =	ssub.s32 s23, s25;
	s23 =	simm.s32 $0x6CC0  }
0xf: {  	v1 =	vimm.f32 $0.0e+00;
	v2 =	vimm.s32 $0x0;
	v0 =	vmov s31;
	s25 =	simm.s32 $0x9CC0;
	s9 =	smax.u32 s26, $0x1;
	s26 =	simm.s32 $0x0  }
.LBB2_10:
0x10: {  	s26 =	sadd.s32 $0x1, s26  }
0x11: {  	p0 =	sne.s32 s26, s9  }
.Ltmp1:
0x12: {  	_ = 	snop;
	(pc) =	sbr.rel @!p0 .LBB2_11-.Ltmp1, $1  }
0x13: {  	_ =	sdelay $0x3  }
.LBB2_1:
0x14: {  	s0 =	rddreg [dreg:$0x3]  }
0x15: {  	[tilespmem:s2], [sflag:$0x2] =	stream.linear.gather [hbm4b:s0+s2], $0x80, $0x38;
	[tilespmem:$0xB4C0] =	vst v63  }
0x16: {  	_ =	swait.ge [sflag:s10], $0x80  }
0x17: {  	[sflag:s10] =	ssyncset.done $0x0  }
0x18: {  	s3 =	simm.s32 $0x80;
	s29 =	rddreg [dreg:$0x4];
	[sflag:s10] =	ssyncadd.s32 $0xFFFFFF80  }
0x19: {  	[tilespmem:s3], [sflag:$0x2] =	stream.linear.gather [hbm4b:s29+s2], $0x200, $0x38;
	[tilespmem:$0xB4C0] =	vst v63  }
0x1a: {  	_ =	swait.ge [sflag:s10], $0x200  }
0x1b: {  	[sflag:s10] =	ssyncset.done $0x0  }
0x1c: {  	s31 =	simm.s32 $0x280;
	s30 =	rddreg [dreg:$0x5];
	[sflag:s10] =	ssyncadd.s32 $0xFFFFFE00  }
0x1d: {  	[tilespmem:s31], [sflag:$0x2] =	stream.linear.gather [hbm4b:s30+s2], $0x2000, $0x38;
	[tilespmem:$0xB4C0] =	vst v63  }
0x1e: {  	_ =	swait.ge [sflag:s10], $0x2000  }
0x1f: {  	[sflag:s10] =	ssyncset.done $0x0  }
0x20: {  	s0 =	simm.s32 $0x0;
	[sflag:s10] =	ssyncadd.s32 $0xFFFFE000  }
0x21: {  	[tilespmem:s0+$0x9D10] =	vst v1  }
0x22: {  	[tilespmem:s0+$0x9CC0] =	vst v1  }
0x23: {  	[tilespmem:s0+$0x9CD0] =	vst v1  }
0x24: {  	[tilespmem:s0+$0x9CE0] =	vst v1  }
0x25: {  	s3 =	simm.s32 $0x180;
	[tilespmem:s0+$0x9CF0] =	vst v1  }
.LBB2_2:
0x26: {  	p0 =	sne.s32 s3, $0x5E80;
	[tilespmem:s0+$0x9D00] =	vst v1;
	s0 =	sshra.s32 s3, $0x2;
	s3 =	sadd.s32 $0x180, s3  }
.Ltmp2:
0x27: {  	[tilespmem:s0+$0x9D10] =	vst v1;
	(pc) =	sbr.rel @p0 .LBB2_2-.Ltmp2, $4  }
0x28: {  	[tilespmem:s0+$0x9CC0] =	vst v1  }
0x29: {  	[tilespmem:s0+$0x9CD0] =	vst v1  }
0x2a: {  	[tilespmem:s0+$0x9CE0] =	vst v1  }
0x2b: {  	[tilespmem:s0+$0x9CF0] =	vst v1  }
0x2c: {  	[tilespmem:s0+$0x9D00] =	vst v1  }
0x2d: {  	v8 =	vld [tilespmem:s13+$0x0];
	_ =	sdelay $0x2  }
.Ltmp3:
0x2e: {  	_ = 	snop;
	(pc) =	sbr.rel .LBB2_4-.Ltmp3, $4  }
0x2f: {  	_ = 	snop  }
0x30: {  	v3 =	vbroadcast v8, $0x0;
	v4 =	vbroadcast v8, $0x1  }
0x31: {  	v5 =	vbroadcast v8, $0x2;
	v6 =	vbroadcast v8, $0x3  }
0x32: {  	s28 =	simm.s32 $0x0;
	v7 =	vbroadcast v8, $0x4;
	v8 =	vbroadcast v8, $0x5  }
.LBB2_8:
0x33: {  	s0 =	smul.u32 $0xC, s29;
	_ =	sdelay $0x1  }
0x34: {  	s0 =	sadd.s32 s7, s0  }
0x35: {  	[hbm4b:s0+s2] =	stream.linear.scatter [tilespmem:s25], [sflag:$0x2], $0x1800, $0x38;
	[tilespmem:$0xB4C0] =	vst v63  }
0x36: {  	s0 =	simm.s32 $0x2  }
.LBB2_9:
0x37: {  	s28 =	sadd.s32 $0x1, s28  }
0x38: {  	p0 =	sne.s32 s28, $0x400  }
.Ltmp4:
0x39: {  	_ = 	snop;
	(pc) =	sbr.rel @!p0 .LBB2_10-.Ltmp4, $4  }
0x3a: {  	_ = 	snop  }
0x3b: {  	_ =	swait.ge [sflag:s0], $0x1800  }
0x3c: {  	[sflag:s0] =	ssyncset.done $0x0  }
0x3d: {  	[sflag:s0] =	ssyncadd.s32 $0xFFFFE800  }
.LBB2_4:
0x3e: {  	s0 =	sshll.u32 s28, $0x6  }
0x3f: {  	s3 =	sand.u32 $0x7, s28;
	s29 =	sadd.s32 s8, s0  }
0x40: {  	p1 =	sne.s32 s3, $0x0;
	p0 =	seq.s32 s29, $0x0  }
0x41: {  	p0 =	por !p1, !p0  }
0x42: {  	s3 =	simm.s32 $0x1;
	p0 =	por !p0, !p0  }
0x43: {  	s4 =	sshrl.u32 s29, $0x9;
	s3 =	simm.s32 @!p0 $0x0  }
0x44: {  	s3 =	ssub.s32 s4, s3  }
0x45: {  	s0 =	sand.u32 $0x1C0, s0;
	s3 =	sshll.u32 s3, $0x4  }
0x46: {  	v11 =	vld [tilespmem:s0+$0x80];
	s3 =	sand.u32 $0x1FF0, s3  }
0x47: {  	v10 =	vld [tilespmem:s3+$0x280];
	_ =	sdelay $0x4  }
0x48: {  	v12 =	vmul.f32 v11, v3;
	v9 =	vmul.f32 v10, v4  }
0x49: {  	v11 =	vmul.f32 v11, v6;
	v10 =	vmul.f32 v10, v7  }
0x4a: {  	v12 =	vadd.f32 v12, v9  }
0x4b: {  	v11 =	vadd.f32 v11, v10  }
0x4c: {  	v12 =	vadd.f32 v12, v5  }
0x4d: {  	v11 =	vadd.f32 v11, v8  }
0x4e: {  	v12 =	vadd.f32 $1.000000000e+00, v12  }
0x4f: {  	v11 =	vadd.f32 $1.000000000e+00, v11  }
0x50: {  	v12 =	vmul.f32 $2.560000000e+02, v12  }
0x51: {  	v11 =	vmul.f32 $2.560000000e+02, v11  }
0x52: {  	v12 =	vmax.f32 v12, $-4.000000000e+00  }
0x53: {  	v11 =	vmax.f32 v11, $-4.000000000e+00;
	v13 =	vmin.f32 v12, $5.160000000e+02  }
0x54: {  	v15 =	vmin.f32 v11, $5.160000000e+02;
	v12 =	vclamp.gez.f32 v12, $5.160000000e+02;
	v14 =	vtrunc.f32 v13  }
0x55: {  	v36 =	vtrunc.f32 v15;
	v16 =	vcvt.f32.s32 v14  }
0x56: {  	vm0 =	vlt.f32 v13, v14;
	v17 =	vcvt.f32.s32 v36;
	vm5 =	vlt.f32 v15, v36  }
0x57: {  	v11 =	vclamp.gez.f32 v11, $5.160000000e+02;
	v14 =	vsel vm0, $0xFFFFFFFF, v2;
	v13 =	vsel vm5, $0xFFFFFFFF, v2  }
0x58: {  	v12 =	vmin.f32 v12, $5.110000000e+02;
	v14 =	vadd.s32 v16, v14;
	v13 =	vadd.s32 v17, v13  }
0x59: {  	v11 =	vmin.f32 v11, $5.110000000e+02;
	vm6 =	vgt.s32 v14, $0x0;
	vm1 =	vgt.s32 v13, $0x0  }
0x5a: {  	v37 =	vnsel vm6, $0x0, v14;
	v14 =	vadd.s32 $0x1, v14;
	v38 =	vnsel vm1, $0x0, v13  }
0x5b: {  	v13 =	vadd.s32 $0x1, v13;
	v15 =	vmin.u32 v37, $0x1FF;
	vm7 =	vgt.s32 v14, $0x0  }
0x5c: {  	v16 =	vmin.u32 v38, $0x1FF;
	vm8 =	vgt.s32 v13, $0x0;
	v14 =	vnsel vm7, $0x0, v14  }
0x5d: {  	v13 =	vnsel vm8, $0x0, v13;
	v18 =	vshll.u32 v16, $0x9;
	v16 =	vcvt.s32.f32 v16  }
0x5e: {  	v21 =	vcvt.s32.f32 v15;
	v14 =	vmin.u32 v14, $0x1FF;
	v13 =	vmin.u32 v13, $0x1FF  }
0x5f: {  	v18 =	vor.u32 v0, v18;
	v19 =	vcvt.s32.f32 v13;
	v13 =	vshll.u32 v13, $0x9  }
0x60: {  	v39 =	vcvt.s32.f32 v14;
	v20 =	vor.u32 v15, v18;
	v13 =	vor.u32 v0, v13  }
0x61: {  	v16 =	vsub.f32 v11, v16;
	v40 =	vsub.f32 v12, v21;
	[tilespmem:$0x2280] =	vst v20;
	v15 =	vor.u32 v15, v13  }
0x62: {  	v17 =	vsub.f32 v39, v12;
	v19 =	vsub.f32 v19, v11;
	v11 =	vor.u32 v14, v18;
	[tilespmem:$0x22C0] =	vst v15  }
0x63: {  	v41 =	vor.u32 v14, v13;
	v44 =	vmul.f32 v16, v40;
	[tilespmem:$0x2300] =	vst v11  }
0x64: {  	[tilespmem:$0x2340] =	vst v41;
	v11 =	vmul.f32 v19, v17  }
0x65: {  	v42 =	vmul.f32 v17, v16;
	[tilespmem:$0x2470] =	vst v44  }
0x66: {  	v43 =	vmul.f32 v19, v40;
	[tilespmem:$0x2380] =	vst v11  }
0x67: {  	[tilespmem:$0x23D0] =	vst v42  }
0x68: {  	[tilespmem:$0x2420] =	vst v43  }
0x69: {  	v45 =	vld [tilespmem:s0+$0x90];
	_ =	sdelay $0x4  }
0x6a: {  	v46 =	vmul.f32 v45, v3  }
0x6b: {  	v15 =	vmul.f32 v45, v6  }
0x6c: {  	v16 =	vadd.f32 v46, v9  }
0x6d: {  	v15 =	vadd.f32 v15, v10  }
0x6e: {  	v16 =	vadd.f32 v16, v5  }
0x6f: {  	v15 =	vadd.f32 v15, v8  }
0x70: {  	v16 =	vadd.f32 $1.000000000e+00, v16  }
0x71: {  	v15 =	vadd.f32 $1.000000000e+00, v15  }
0x72: {  	v16 =	vmul.f32 $2.560000000e+02, v16  }
0x73: {  	v15 =	vmul.f32 $2.560000000e+02, v15  }
0x74: {  	v16 =	vmax.f32 v16, $-4.000000000e+00  }
0x75: {  	v15 =	vmax.f32 v15, $-4.000000000e+00;
	v47 =	vmin.f32 v16, $5.160000000e+02  }
0x76: {  	v49 =	vmin.f32 v15, $5.160000000e+02;
	v16 =	vclamp.gez.f32 v16, $5.160000000e+02;
	v48 =	vtrunc.f32 v47  }
0x77: {  	v51 =	vtrunc.f32 v49;
	v50 =	vcvt.f32.s32 v48  }
0x78: {  	vm9 =	vlt.f32 v47, v48;
	v52 =	vcvt.f32.s32 v51;
	vm10 =	vlt.f32 v49, v51  }
0x79: {  	v15 =	vclamp.gez.f32 v15, $5.160000000e+02;
	v18 =	vsel vm9, $0xFFFFFFFF, v2;
	v17 =	vsel vm10, $0xFFFFFFFF, v2  }
0x7a: {  	v16 =	vmin.f32 v16, $5.110000000e+02;
	v18 =	vadd.s32 v50, v18;
	v17 =	vadd.s32 v52, v17  }
0x7b: {  	v15 =	vmin.f32 v15, $5.110000000e+02;
	vm11 =	vgt.s32 v18, $0x0;
	vm13 =	vgt.s32 v17, $0x0  }
0x7c: {  	v53 =	vnsel vm11, $0x0, v18;
	v18 =	vadd.s32 $0x1, v18;
	v54 =	vnsel vm13, $0x0, v17  }
0x7d: {  	v17 =	vadd.s32 $0x1, v17;
	v19 =	vmin.u32 v53, $0x1FF;
	vm12 =	vgt.s32 v18, $0x0  }
0x7e: {  	v20 =	vmin.u32 v54, $0x1FF;
	vm14 =	vgt.s32 v17, $0x0;
	v18 =	vnsel vm12, $0x0, v18  }
0x7f: {  	v17 =	vnsel vm14, $0x0, v17;
	v22 =	vshll.u32 v20, $0x9;
	v20 =	vcvt.s32.f32 v20  }
0x80: {  	v25 =	vcvt.s32.f32 v19;
	v18 =	vmin.u32 v18, $0x1FF;
	v17 =	vmin.u32 v17, $0x1FF  }
0x81: {  	v22 =	vor.u32 v0, v22;
	v55 =	vcvt.s32.f32 v18;
	v23 =	vcvt.s32.f32 v17  }
0x82: {  	v17 =	vshll.u32 v17, $0x9;
	v24 =	vor.u32 v19, v22;
	v56 =	vor.u32 v18, v22  }
0x83: {  	v17 =	vor.u32 v0, v17;
	[tilespmem:$0x2290] =	vst v24;
	v21 =	vsub.f32 v55, v16;
	v23 =	vsub.f32 v23, v15  }
0x84: {  	[tilespmem:$0x2310] =	vst v56;
	v19 =	vor.u32 v19, v17;
	v15 =	vsub.f32 v15, v20  }
0x85: {  	v16 =	vsub.f32 v16, v25;
	v17 =	vor.u32 v18, v17;
	[tilespmem:$0x22D0] =	vst v19;
	v57 =	vmul.f32 v23, v21  }
0x86: {  	[tilespmem:$0x2350] =	vst v17;
	v58 =	vmul.f32 v21, v15  }
0x87: {  	v59 =	vmul.f32 v23, v16;
	[tilespmem:$0x2390] =	vst v57  }
0x88: {  	v15 =	vmul.f32 v15, v16;
	[tilespmem:$0x23E0] =	vst v58  }
0x89: {  	[tilespmem:$0x2430] =	vst v59  }
0x8a: {  	[tilespmem:$0x2480] =	vst v15  }
0x8b: {  	v60 =	vld [tilespmem:s0+$0xA0];
	_ =	sdelay $0x4  }
0x8c: {  	v61 =	vmul.f32 v60, v3  }
0x8d: {  	v16 =	vmul.f32 v60, v6  }
0x8e: {  	v20 =	vadd.f32 v61, v9  }
0x8f: {  	v16 =	vadd.f32 v16, v10  }
0x90: {  	v20 =	vadd.f32 v20, v5  }
0x91: {  	v16 =	vadd.f32 v16, v8  }
0x92: {  	v20 =	vadd.f32 $1.000000000e+00, v20  }
0x93: {  	v16 =	vadd.f32 $1.000000000e+00, v16  }
0x94: {  	v20 =	vmul.f32 $2.560000000e+02, v20  }
0x95: {  	v16 =	vmul.f32 $2.560000000e+02, v16  }
0x96: {  	v20 =	vmax.f32 v20, $-4.000000000e+00  }
0x97: {  	v16 =	vmax.f32 v16, $-4.000000000e+00;
	v62 =	vmin.f32 v20, $5.160000000e+02  }
0x98: {  	v28 =	vmin.f32 v16, $5.160000000e+02;
	v20 =	vclamp.gez.f32 v20, $5.160000000e+02;
	v16 =	vclamp.gez.f32 v16, $5.160000000e+02  }
0x99: {  	v63 =	vtrunc.f32 v62;
	v30 =	vtrunc.f32 v28  }
0x9a: {  	v20 =	vmin.f32 v20, $5.110000000e+02;
	v29 =	vcvt.f32.s32 v63;
	vm15 =	vlt.f32 v62, v63  }
0x9b: {  	v31 =	vcvt.f32.s32 v30;
	vm4 =	vlt.f32 v28, v30;
	v22 =	vsel vm15, $0xFFFFFFFF, v2  }
0x9c: {  	v16 =	vmin.f32 v16, $5.110000000e+02;
	v21 =	vsel vm4, $0xFFFFFFFF, v2;
	v22 =	vadd.s32 v29, v22  }
0x9d: {  	v21 =	vadd.s32 v31, v21;
	v32 =	vadd.s32 $0x1, v22;
	vm5 =	vgt.s32 v22, $0x0  }
0x9e: {  	vm7 =	vgt.s32 v21, $0x0;
	vm6 =	vgt.s32 v32, $0x0;
	v22 =	vnsel vm5, $0x0, v22  }
0x9f: {  	v33 =	vnsel vm7, $0x0, v21;
	v21 =	vadd.s32 $0x1, v21;
	v23 =	vnsel vm6, $0x0, v32  }
0xa0: {  	v22 =	vmin.u32 v22, $0x1FF;
	v24 =	vmin.u32 v33, $0x1FF;
	vm8 =	vgt.s32 v21, $0x0  }
0xa1: {  	v23 =	vmin.u32 v23, $0x1FF;
	v21 =	vnsel vm8, $0x0, v21;
	v26 =	vshll.u32 v24, $0x9  }
0xa2: {  	v24 =	vcvt.s32.f32 v24;
	v35 =	vcvt.s32.f32 v22;
	v21 =	vmin.u32 v21, $0x1FF  }
0xa3: {  	v34 =	vcvt.s32.f32 v23;
	v26 =	vor.u32 v0, v26;
	v27 =	vcvt.s32.f32 v21  }
0xa4: {  	v21 =	vshll.u32 v21, $0x9;
	v28 =	vor.u32 v22, v26;
	v36 =	vor.u32 v23, v26  }
0xa5: {  	v25 =	vsub.f32 v34, v20;
	v21 =	vor.u32 v0, v21;
	[tilespmem:$0x22A0] =	vst v28;
	v27 =	vsub.f32 v27, v16  }
0xa6: {  	[tilespmem:$0x2320] =	vst v36;
	v22 =	vor.u32 v22, v21;
	v16 =	vsub.f32 v16, v24  }
0xa7: {  	v20 =	vsub.f32 v20, v35;
	v21 =	vor.u32 v23, v21;
	[tilespmem:$0x22E0] =	vst v22;
	v37 =	vmul.f32 v27, v25  }
0xa8: {  	[tilespmem:$0x2360] =	vst v21;
	v38 =	vmul.f32 v25, v16  }
0xa9: {  	v39 =	vmul.f32 v27, v20;
	[tilespmem:$0x23A0] =	vst v37  }
0xaa: {  	v16 =	vmul.f32 v16, v20;
	[tilespmem:$0x23F0] =	vst v38  }
0xab: {  	[tilespmem:$0x2440] =	vst v39  }
0xac: {  	[tilespmem:$0x2490] =	vst v16  }
0xad: {  	v40 =	vld [tilespmem:s0+$0xB0];
	_ =	sdelay $0x4  }
0xae: {  	v41 =	vmul.f32 v40, v3  }
0xaf: {  	v20 =	vmul.f32 v40, v6  }
0xb0: {  	v9 =	vadd.f32 v41, v9  }
0xb1: {  	v10 =	vadd.f32 v20, v10  }
0xb2: {  	v9 =	vadd.f32 v9, v5  }
0xb3: {  	v10 =	vadd.f32 v10, v8  }
0xb4: {  	v9 =	vadd.f32 $1.000000000e+00, v9  }
0xb5: {  	v10 =	vadd.f32 $1.000000000e+00, v10  }
0xb6: {  	v11 =	vadd.f32 v42, v11;
	v42 =	vadd.f32 v43, v44;
	v9 =	vmul.f32 $2.560000000e+02, v9  }
0xb7: {  	v10 =	vmul.f32 $2.560000000e+02, v10  }
0xb8: {  	v11 =	vadd.f32 v42, v11;
	v43 =	vadd.f32 v58, v57;
	v9 =	vmax.f32 v9, $-4.000000000e+00  }
0xb9: {  	v44 =	vadd.f32 v59, v15;
	v10 =	vmax.f32 v10, $-4.000000000e+00;
	v45 =	vmin.f32 v9, $5.160000000e+02  }
0xba: {  	v11 =	vadd.f32 $0.0e+00, v11;
	v46 =	vmin.f32 v10, $5.160000000e+02;
	v47 =	vtrunc.f32 v45  }
0xbb: {  	v13 =	vadd.f32 v44, v43;
	v49 =	vtrunc.f32 v46;
	v48 =	vcvt.f32.s32 v47  }
0xbc: {  	vm9 =	vlt.f32 v45, v47;
	v50 =	vcvt.f32.s32 v49;
	vm10 =	vlt.f32 v46, v49  }
0xbd: {  	v9 =	vclamp.gez.f32 v9, $5.160000000e+02;
	v15 =	vsel vm9, $0xFFFFFFFF, v2;
	v52 =	vsel vm10, $0xFFFFFFFF, v2  }
0xbe: {  	v10 =	vclamp.gez.f32 v10, $5.160000000e+02;
	v15 =	vadd.s32 v48, v15;
	v12 =	vadd.s32 v50, v52  }
0xbf: {  	v10 =	vmin.f32 v10, $5.110000000e+02;
	vm11 =	vgt.s32 v15, $0x0;
	v54 =	vadd.s32 $0x1, v12  }
0xc0: {  	v53 =	vadd.s32 $0x1, v15;
	vm14 =	vgt.s32 v12, $0x0;
	vm13 =	vgt.s32 v54, $0x0  }
0xc1: {  	v15 =	vnsel vm11, $0x0, v15;
	vm12 =	vgt.s32 v53, $0x0;
	v18 =	vnsel vm13, $0x0, v54  }
0xc2: {  	v12 =	vnsel vm14, $0x0, v12;
	v17 =	vnsel vm12, $0x0, v53;
	v18 =	vmin.u32 v18, $0x1FF  }
0xc3: {  	v12 =	vmin.u32 v12, $0x1FF;
	v17 =	vmin.u32 v17, $0x1FF;
	v55 =	vcvt.s32.f32 v18  }
0xc4: {  	v15 =	vmin.u32 v15, $0x1FF;
	v57 =	vcvt.s32.f32 v12;
	v56 =	vcvt.s32.f32 v17  }
0xc5: {  	v9 =	vmin.f32 v9, $5.110000000e+02;
	v58 =	vcvt.s32.f32 v15;
	v19 =	vsub.f32 v55, v10  }
0xc6: {  	v10 =	vsub.f32 v10, v57;
	v20 =	vsub.f32 v56, v9  }
0xc7: {  	v51 =	vadd.f32 v38, v37;
	v9 =	vsub.f32 v9, v58  }
0xc8: {  	v16 =	vadd.f32 v39, v16;
	v59 =	vmul.f32 v19, v20;
	v20 =	vmul.f32 v20, v10  }
0xc9: {  	v19 =	vmul.f32 v19, v9;
	v9 =	vmul.f32 v10, v9  }
0xca: {  	v10 =	vadd.f32 v13, v11;
	v11 =	vadd.f32 v16, v51  }
0xcb: {  	v60 =	vadd.f32 v20, v59;
	v61 =	vadd.f32 v19, v9;
	_ =	sdelay $0x1  }
0xcc: {  	v10 =	vadd.f32 v11, v10;
	v11 =	vadd.f32 v61, v60;
	_ =	sdelay $0x1  }
0xcd: {  	v10 =	vadd.f32 v11, v10;
	_ =	sdelay $0x1  }
0xce: {  	vm15 =	vgt.f32 v10, $0.0e+00  }
0xcf: {  	v10 =	vmpcnt.ones.xlane vm15;
	_ =	sdelay $0x1  }
0xd0: {  	(v2sf) =	vpush v10, $0x0;
	_ =	sdelay $0xd  }
0xd1: {  	[tilespmem:$0x23B0] =	vst v59  }
0xd2: {  	[tilespmem:$0x2400] =	vst v20;
	v11 =	vshll.u32 v18, $0x9;
	s31 =	spop (v2sf)  }
0xd3: {  	[tilespmem:$0x2450] =	vst v19;
	v11 =	vor.u32 v0, v11;
	v10 =	vshll.u32 v12, $0x9;
	p0 =	slt.s32 s31, $0x1  }
.Ltmp5:
0xd4: {  	[tilespmem:$0x24A0] =	vst v9;
	v63 =	vor.u32 v15, v11;
	v10 =	vor.u32 v0, v10;
	(pc) =	sbr.rel @p0 .LBB2_8-.Ltmp5, $4  }
0xd5: {  	[tilespmem:$0x22F0] =	vst v63;
	v62 =	vor.u32 v15, v10  }
0xd6: {  	v10 =	vor.u32 v17, v10;
	[tilespmem:$0x22B0] =	vst v62  }
0xd7: {  	[tilespmem:$0x2330] =	vst v10;
	v10 =	vor.u32 v17, v11  }
0xd8: {  	[tilespmem:$0x2370] =	vst v10  }
0xd9: {  	[tilespmem:s17], [sflag:$0x1] =	stream.indirect.gather [hbm4b:s1+s15], $0x60, s16, s15, $0xb8;
	[tilespmem:$0xB4C0] =	vst v63  }
0xda: {  	_ = 	snop  }
0xdb: {  	[tilespmem:s19], [sflag:$0x1] =	stream.indirect.gather [hbm4b:s1+s15], $0x60, s18, s15, $0xb8;
	[tilespmem:$0xB4C0] =	vst v63  }
0xdc: {  	_ = 	snop  }
0xdd: {  	[tilespmem:s21], [sflag:$0x1] =	stream.indirect.gather [hbm4b:s1+s15], $0x60, s20, s15, $0xb8;
	[tilespmem:$0xB4C0] =	vst v63  }
0xde: {  	_ = 	snop  }
0xdf: {  	[tilespmem:s23], [sflag:$0x1] =	stream.indirect.gather [hbm4b:s1+s15], $0x60, s22, s15, $0xb8;
	[tilespmem:$0xB4C0] =	vst v63  }
0xe0: {  	_ =	swait.ge [sflag:s14], $0x1800  }
0xe1: {  	[sflag:s14] =	ssyncset.done $0x0  }
0xe2: {  	[sflag:s14] =	ssyncadd.s32 $0xFFFFE800  }
0xe3: {  	_ =	swait.ge [sflag:s14], $0x1800  }
0xe4: {  	[sflag:s14] =	ssyncset.done $0x0  }
0xe5: {  	[sflag:s14] =	ssyncadd.s32 $0xFFFFE800  }
0xe6: {  	_ =	swait.ge [sflag:s14], $0x1800  }
0xe7: {  	[sflag:s14] =	ssyncset.done $0x0  }
0xe8: {  	[sflag:s14] =	ssyncadd.s32 $0xFFFFE800  }
0xe9: {  	_ =	swait.ge [sflag:s14], $0x1800  }
0xea: {  	s0 =	simm.s32 $0x0;
	[sflag:s14] =	ssyncset.done $0x0  }
0xeb: {  	s4 =	sand.u32 $0x3F, s0;
	[sflag:s14] =	ssyncadd.s32 $0xFFFFE800  }
0xec: {  	s30 =	simm.s32 $0x24F0;
	v9 =	vld.msk [tilespmem:s4+$0x23D0 ss:$0x0], $0xffff  }
0xed: {  	s31 =	simm.s32 $0x2380;
	v13 =	vld [tilespmem:s30+$0xFFFFFFD0]  }
0xee: {  	s0 =	simm.s32 $0x3CF0;
	v10 =	vld.msk [tilespmem:s31+$0x0 ss:$0x0], $0xffff  }
0xef: {  	v14 =	vld [tilespmem:s0+$0xFFFFFFD0]  }
0xf0: {  	s3 =	simm.s32 $0x54F0;
	v11 =	vld.msk [tilespmem:s4+$0x2420 ss:$0x0], $0xffff  }
0xf1: {  	v15 =	vld [tilespmem:s3+$0xFFFFFFD0]  }
0xf2: {  	s5 =	simm.s32 $0x6CF0;
	v12 =	vld.msk [tilespmem:s4+$0x2470 ss:$0x0], $0xffff  }
0xf3: {  	v16 =	vld [tilespmem:s5+$0xFFFFFFD0]  }
0xf4: {  	v13 =	vmul.f32 v13, v10;
	v14 =	vmul.f32 v14, v9;
	_ =	sdelay $0x1  }
0xf5: {  	v13 =	vadd.f32 v14, v13;
	v14 =	vmul.f32 v15, v11;
	_ =	sdelay $0x1  }
0xf6: {  	v13 =	vadd.f32 v14, v13;
	v14 =	vmul.f32 v16, v12;
	_ =	sdelay $0x1  }
0xf7: {  	v13 =	vadd.f32 v14, v13  }
0xf8: {  	s4 =	simm.s32 $0x84F0  }
0xf9: {  	[tilespmem:s4+$0xFFFFFFD0] =	vst v13  }
0xfa: {  	v13 =	vld [tilespmem:s30+$0xFFFFFFE0]  }
0xfb: {  	v14 =	vld [tilespmem:s0+$0xFFFFFFE0];
	_ =	sdelay $0x1  }
0xfc: {  	v15 =	vld [tilespmem:s3+$0xFFFFFFE0];
	_ =	sdelay $0x1  }
0xfd: {  	v16 =	vld [tilespmem:s5+$0xFFFFFFE0]  }
0xfe: {  	v13 =	vmul.f32 v13, v10;
	v14 =	vmul.f32 v14, v9;
	_ =	sdelay $0x1  }
0xff: {  	v13 =	vadd.f32 v14, v13;
	v14 =	vmul.f32 v15, v11;
	_ =	sdelay $0x1  }
0x100: {  	v13 =	vadd.f32 v14, v13;
	v14 =	vmul.f32 v16, v12;
	_ =	sdelay $0x1  }
0x101: {  	v13 =	vadd.f32 v14, v13;
	_ =	sdelay $0x1  }
0x102: {  	[tilespmem:s4+$0xFFFFFFE0] =	vst v13  }
0x103: {  	v13 =	vld [tilespmem:s30+$0xFFFFFFF0]  }
0x104: {  	v14 =	vld [tilespmem:s0+$0xFFFFFFF0];
	_ =	sdelay $0x1  }
0x105: {  	v15 =	vld [tilespmem:s3+$0xFFFFFFF0];
	_ =	sdelay $0x1  }
0x106: {  	v16 =	vld [tilespmem:s5+$0xFFFFFFF0]  }
0x107: {  	v13 =	vmul.f32 v13, v10;
	v14 =	vmul.f32 v14, v9;
	_ =	sdelay $0x1  }
0x108: {  	v13 =	vadd.f32 v14, v13;
	v14 =	vmul.f32 v15, v11;
	_ =	sdelay $0x1  }
0x109: {  	v13 =	vadd.f32 v14, v13;
	v14 =	vmul.f32 v16, v12;
	_ =	sdelay $0x1  }
0x10a: {  	v13 =	vadd.f32 v14, v13;
	_ =	sdelay $0x1  }
0x10b: {  	[tilespmem:s4+$0xFFFFFFF0] =	vst v13  }
0x10c: {  	v13 =	vld [tilespmem:s30+$0x0]  }
0x10d: {  	v14 =	vld [tilespmem:s0+$0x0];
	_ =	sdelay $0x1  }
0x10e: {  	v15 =	vld [tilespmem:s3+$0x0];
	_ =	sdelay $0x1  }
0x10f: {  	v16 =	vld [tilespmem:s5+$0x0]  }
0x110: {  	v13 =	vmul.f32 v13, v10;
	v14 =	vmul.f32 v14, v9;
	_ =	sdelay $0x1  }
0x111: {  	v13 =	vadd.f32 v14, v13;
	v14 =	vmul.f32 v15, v11;
	_ =	sdelay $0x1  }
0x112: {  	v13 =	vadd.f32 v14, v13;
	v14 =	vmul.f32 v16, v12;
	_ =	sdelay $0x1  }
0x113: {  	v13 =	vadd.f32 v14, v13;
	_ =	sdelay $0x1  }
0x114: {  	[tilespmem:s4+$0x0] =	vst v13  }
0x115: {  	v13 =	vld [tilespmem:s0+$0x10]  }
0x116: {  	v14 =	vld [tilespmem:s30+$0x10];
	_ =	sdelay $0x1  }
0x117: {  	v15 =	vld [tilespmem:s3+$0x10];
	_ =	sdelay $0x1  }
0x118: {  	v16 =	vld [tilespmem:s5+$0x10]  }
0x119: {  	v13 =	vmul.f32 v13, v9;
	v14 =	vmul.f32 v14, v10;
	_ =	sdelay $0x1  }
0x11a: {  	v15 =	vmul.f32 v15, v11;
	v13 =	vadd.f32 v13, v14;
	_ =	sdelay $0x1  }
0x11b: {  	v14 =	vmul.f32 v16, v12;
	v13 =	vadd.f32 v15, v13;
	_ =	sdelay $0x1  }
0x11c: {  	v13 =	vadd.f32 v14, v13;
	_ =	sdelay $0x1  }
0x11d: {  	[tilespmem:s4+$0x10] =	vst v13  }
0x11e: {  	v14 =	vld [tilespmem:s30+$0x20]  }
0x11f: {  	v16 =	vld [tilespmem:s0+$0x20]  }
0x120: {  	v15 =	vld [tilespmem:s3+$0x20]  }
0x121: {  	s11 =	simm.s32 $0x1;
	v13 =	vld [tilespmem:s5+$0x20]  }
0x122: {  	s12 =	simm.s32 $0x5550;
	s3 =	simm.s32 $0x8550;
	s5 =	simm.s32 $0x6D50  }
.LBB2_6:
0x123: {  	s31 =	sadd.s32 $0x1, s31;
	s30 =	sadd.s32 $0x60, s30;
	s0 =	sadd.s32 $0x60, s0  }
0x124: {  	p0 =	sne.s32 s11, $0x3F;
	v10 =	vmul.f32 v14, v10;
	s6 =	smov.u32 s11;
	s11 =	sadd.s32 $0x1, s11;
	v9 =	vmul.f32 v16, v9  }
0x125: {  	v11 =	vmul.f32 v15, v11  }
0x126: {  	v9 =	vadd.f32 v9, v10;
	v10 =	vmul.f32 v13, v12;
	_ =	sdelay $0x1  }
0x127: {  	v9 =	vadd.f32 v11, v9;
	_ =	sdelay $0x1  }
0x128: {  	s6 =	sand.u32 $0x3F, s6;
	v9 =	vadd.f32 v10, v9;
	_ =	sdelay $0x1  }
0x129: {  	[tilespmem:s4+$0x20] =	vst v9;
	s4 =	smov.u32 s3  }
0x12a: {  	v9 =	vld.msk [tilespmem:s6+$0x23D0 ss:$0x0], $0xffff  }
0x12b: {  	v13 =	vld [tilespmem:s30+$0xFFFFFFD0]  }
0x12c: {  	v10 =	vld.msk [tilespmem:s31+$0x0 ss:$0x0], $0xffff  }
0x12d: {  	v14 =	vld [tilespmem:s0+$0xFFFFFFD0]  }
0x12e: {  	v11 =	vld.msk [tilespmem:s6+$0x2420 ss:$0x0], $0xffff  }
0x12f: {  	v15 =	vld [tilespmem:s12+$0xFFFFFFD0]  }
0x130: {  	v12 =	vld.msk [tilespmem:s6+$0x2470 ss:$0x0], $0xffff  }
0x131: {  	v16 =	vld [tilespmem:s5+$0xFFFFFFD0]  }
0x132: {  	v13 =	vmul.f32 v13, v10;
	v14 =	vmul.f32 v14, v9;
	_ =	sdelay $0x1  }
0x133: {  	v13 =	vadd.f32 v14, v13;
	v14 =	vmul.f32 v15, v11;
	_ =	sdelay $0x1  }
0x134: {  	v13 =	vadd.f32 v14, v13;
	v14 =	vmul.f32 v16, v12;
	_ =	sdelay $0x1  }
0x135: {  	v13 =	vadd.f32 v14, v13;
	_ =	sdelay $0x1  }
0x136: {  	[tilespmem:s3+$0xFFFFFFD0] =	vst v13  }
0x137: {  	v13 =	vld [tilespmem:s30+$0xFFFFFFE0]  }
0x138: {  	v14 =	vld [tilespmem:s0+$0xFFFFFFE0];
	_ =	sdelay $0x1  }
0x139: {  	v15 =	vld [tilespmem:s12+$0xFFFFFFE0];
	_ =	sdelay $0x1  }
0x13a: {  	v13 =	vmul.f32 v13, v10;
	v16 =	vld [tilespmem:s5+$0xFFFFFFE0]  }
0x13b: {  	v14 =	vmul.f32 v14, v9;
	_ =	sdelay $0x1  }
0x13c: {  	v13 =	vadd.f32 v14, v13;
	v14 =	vmul.f32 v15, v11;
	_ =	sdelay $0x1  }
0x13d: {  	v13 =	vadd.f32 v14, v13;
	v14 =	vmul.f32 v16, v12;
	_ =	sdelay $0x1  }
0x13e: {  	v13 =	vadd.f32 v14, v13;
	_ =	sdelay $0x1  }
0x13f: {  	[tilespmem:s3+$0xFFFFFFE0] =	vst v13  }
0x140: {  	v13 =	vld [tilespmem:s30+$0xFFFFFFF0]  }
0x141: {  	v14 =	vld [tilespmem:s0+$0xFFFFFFF0];
	_ =	sdelay $0x1  }
0x142: {  	v15 =	vld [tilespmem:s12+$0xFFFFFFF0];
	_ =	sdelay $0x1  }
0x143: {  	v13 =	vmul.f32 v13, v10;
	v16 =	vld [tilespmem:s5+$0xFFFFFFF0]  }
0x144: {  	v14 =	vmul.f32 v14, v9;
	_ =	sdelay $0x1  }
0x145: {  	v13 =	vadd.f32 v14, v13;
	v14 =	vmul.f32 v15, v11;
	_ =	sdelay $0x1  }
0x146: {  	v13 =	vadd.f32 v14, v13;
	v14 =	vmul.f32 v16, v12;
	_ =	sdelay $0x1  }
0x147: {  	v13 =	vadd.f32 v14, v13;
	_ =	sdelay $0x1  }
0x148: {  	[tilespmem:s3+$0xFFFFFFF0] =	vst v13  }
0x149: {  	v13 =	vld [tilespmem:s30+$0x0]  }
0x14a: {  	v14 =	vld [tilespmem:s0+$0x0];
	_ =	sdelay $0x1  }
0x14b: {  	v15 =	vld [tilespmem:s12+$0x0];
	_ =	sdelay $0x1  }
0x14c: {  	v13 =	vmul.f32 v13, v10;
	v16 =	vld [tilespmem:s5+$0x0]  }
0x14d: {  	v14 =	vmul.f32 v14, v9;
	_ =	sdelay $0x1  }
0x14e: {  	v13 =	vadd.f32 v14, v13;
	v14 =	vmul.f32 v15, v11;
	_ =	sdelay $0x1  }
0x14f: {  	v13 =	vadd.f32 v14, v13;
	v14 =	vmul.f32 v16, v12;
	_ =	sdelay $0x1  }
0x150: {  	v13 =	vadd.f32 v14, v13;
	_ =	sdelay $0x1  }
0x151: {  	[tilespmem:s3+$0x0] =	vst v13  }
0x152: {  	v13 =	vld [tilespmem:s0+$0x10]  }
0x153: {  	v14 =	vld [tilespmem:s30+$0x10]  }
0x154: {  	v15 =	vld [tilespmem:s12+$0x10]  }
0x155: {  	v16 =	vld [tilespmem:s5+$0x10];
	_ =	sdelay $0x1  }
0x156: {  	v13 =	vmul.f32 v13, v9  }
0x157: {  	v14 =	vmul.f32 v14, v10  }
0x158: {  	v15 =	vmul.f32 v15, v11  }
0x159: {  	v13 =	vadd.f32 v13, v14;
	v14 =	vmul.f32 v16, v12;
	_ =	sdelay $0x1  }
0x15a: {  	v13 =	vadd.f32 v15, v13;
	_ =	sdelay $0x1  }
0x15b: {  	v13 =	vadd.f32 v14, v13;
	_ =	sdelay $0x1  }
0x15c: {  	[tilespmem:s3+$0x10] =	vst v13  }
.Ltmp6:
0x15d: {  	v14 =	vld [tilespmem:s30+$0x20];
	(pc) =	sbr.rel @p0 .LBB2_6-.Ltmp6, $4  }
0x15e: {  	v16 =	vld [tilespmem:s0+$0x20]  }
0x15f: {  	v15 =	vld [tilespmem:s12+$0x20]  }
0x160: {  	v13 =	vld [tilespmem:s5+$0x20]  }
0x161: {  	s3 =	sadd.s32 $0x60, s3;
	s12 =	sadd.s32 $0x60, s12;
	s5 =	sadd.s32 $0x60, s5  }
0x162: {  	_ = 	snop  }
0x163: {  	v10 =	vmul.f32 v14, v10;
	v9 =	vmul.f32 v16, v9;
	_ =	sdelay $0x1  }
0x164: {  	v11 =	vmul.f32 v15, v11;
	v9 =	vadd.f32 v9, v10;
	_ =	sdelay $0x1  }
0x165: {  	v10 =	vmul.f32 v13, v12;
	v9 =	vadd.f32 v11, v9  }
0x166: {  	s0 =	smul.u32 $0xC, s29  }
.Ltmp7:
0x167: {  	v9 =	vadd.f32 v10, v9;
	(pc) =	sbr.rel .LBB2_9-.Ltmp7, $4  }
0x168: {  	_ = 	snop  }
0x169: {  	s0 =	sadd.s32 s7, s0;
	[tilespmem:s4+$0x20] =	vst v9  }
0x16a: {  	[hbm4b:s0+s2] =	stream.linear.scatter [tilespmem:s24], [sflag:$0x3], $0x1800, $0x38;
	[tilespmem:$0xB4C0] =	vst v63  }
0x16b: {  	s0 =	simm.s32 $0x3  }
.LBB2_11:
0x16c: {  	_ =	sfence.sel $0x180000  }
0x16d: {  	[bflag:$0x0] =	sbarrier.arrive $0xFFFF  }
0x16e: {  	_ =	strace $0x90000047  }
0x16f: {  	s0 =	stileid.u32;
	[bflag:$0x2] =	sbarrier.arrive $0xFFFF  }
0x170: {  	p0 =	sne.s32 s0, $0x0;
	s0 =	rddreg [dreg:$0x2]  }
0x171: {  	s0 =	sadd.s32 @!p0 $0x100000, s0  }
0x172: {  	[sflag:s0] =	ssyncadd.tile.s32 @!p0 $0x1;
	_ =	shalt  }
.Lfunc_end2:
_tile_overlayer_lowered:
.L_overlay_start_2:
0x173: {  	(tag) =	ssettag $0x2  }
0x174: {  	s0 =	rddreg [dreg:$0x0];
	s2 =	stileid.u32  }
0x175: {  	s1 =	rddreg [dreg:$0x1];
	p0 =	sne.s32 s2, $0x0  }
0x176: {  	s3 =	rddreg [dreg:$0x2];
	[bflag:$0x3] =	sbarrier.arrive $0xFFFF;
	s2 =	simm.s32 @!p0 $0x1C02  }
0x177: {  	[timem:s3], [sflag:s2] =	dma.local @!p0 [hbm:s0], s1  }
0x178: {  	s0 =	simm.s32 @!p0 $0x2  }
0x179: {  	_ =	swait.ge @!p0 [sflag:s0], s1  }
0x17a: {  	s1 =	ssub.s32 @!p0 $0x0, s1;
	[sflag:s0] =	ssyncset.done @!p0 $0x0  }
0x17b: {  	[sflag:s0] =	ssyncadd.s32 @!p0 s1  }
0x17c: {  	[bflag:$0x3] =	sbarrier.arrive $0xFFFF  }
0x17d: {  	_ =	shalt  }

// kernel: sparse-core-data-format-call.cloned.1.call-start
scs
called_computation_lowered:
.L_overlay_start_0:
0x0: {  	s2 =	sld [smem:$0x3FD9]  }
0x1: {  	s3 =	sld [smem:$0x3FFE];
	_ =	sdelay $0x1  }
0x2: {  	s1 =	srdreg.scid  }
0x3: {  	s0 =	sand.u32 $0x1, s1  }
0x4: {  	s18 =	sshll.u32 s0, $0xA;
	s2 =	sadd.s32 s3, s2  }
0x5: {  	s2 =	sadd.s32 s2, s18  }
0x6: {  	[smem:$0x3FC6] =	sst s2  }
0x7: {  	_ = 	snop  }
0x8: {  	s2 =	sld [smem:$0x3FD0];
	(tm) =	ssettm $0x1  }
0x9: {  	s19 =	sld [smem:$0x3FFB];
	_ =	sdelay $0x3  }
0xa: {  	_ =	strace s19  }
0xb: {  	s3 =	sld [smem:$0x3FFC];
	_ =	sdelay $0x3  }
0xc: {  	_ =	strace s3  }
0xd: {  	s3 =	sld [smem:$0x3FFD];
	_ =	sdelay $0x3  }
0xe: {  	_ =	strace s3  }
0xf: {  	_ =	strace $0x8FFFFFFF  }
0x10: {  	s20 =	sld [smem:$0x3FDB];
	_ =	sdelay $0x1  }
0x11: {  	s4 =	simm.s32 $_scs_section_size  }
0x12: {  	s5 =	simm.s32 $_size__tile_overlayer_lowered;
	s6 =	simm.s32 $_tile_overlayer_lowered  }
0x13: {  	s23 =	simm.s32 $0x1BFF;
	s22 =	sshll.u32 s6, $0x1;
	s3 =	sadd.s32 s4, s20  }
0x14: {  	s7 =	simm.s32 $0x0;
	s21 =	sshll.u32 s5, $0x1;
	s5 =	sadd.s32 s22, s3  }
0x15: {  	[timem:s7], [sflag:s23] =	dma.local [hbm:s5], s21  }
0x16: {  	_ =	swait.ge [sflag:s23], s21  }
0x17: {  	s4 =	ssub.s32 $0x0, s21;
	[sflag:s23] =	ssyncset.done $0x0  }
0x18: {  	[sflag:s23] =	ssyncadd.s32 s4;
	_ =	sdelay $0x1  }
0x19: {  	s24 =	simm.s32 $0x1B8B  }
0x1a: {  	_ =	swait.ge [sflag:s24], $0x1  }
0x1b: {  	[sflag:s24] =	ssyncset.done $0x0  }
0x1c: {  	s26 =	simm.s32 $0x1B8E;
	s25 =	sld [smem:$0x3FFE];
	[sflag:s24] =	ssyncadd.s32 $0xFFFFFFFF  }
0x1d: {  	s27 =	simm.s32 $execute0_lowered;
	[smem:$0x3FD2] =	sst s26  }
0x1e: {  	s5 =	sshll.u32 s27, $0x1;
	_ =	strace $0x80000049;
	[dreg:$0x1] =	wrdreg $0xFFFFFFFF  }
0x1f: {  	s28 =	simm.s32 $_size_execute0_lowered;
	s3 =	sadd.s32 s3, s5;
	[dreg:$0x0] =	wrdreg $0x0  }
0x20: {  	s5 =	sshll.u32 s28, $0x1;
	[dreg:$0x2] =	wrdreg s3  }
0x21: {  	[dreg:$0x3] =	wrdreg s5  }
0x22: {  	[dreg:$0x4] =	wrdreg $0xC0  }
0x23: {  	_ =	task [dreg:s7], $0x5FFFF  }
0x24: {  	[dreg:$0x1] =	wrdreg $0xFFFFFFFF  }
0x25: {  	[dreg:$0x0] =	wrdreg $0x60  }
0x26: {  	[dreg:$0x2] =	wrdreg s25  }
0x27: {  	[dreg:$0x3] =	wrdreg s2  }
0x28: {  	[dreg:$0x4] =	wrdreg $0x9  }
0x29: {  	_ =	task.clear_ibuf [dreg:s7], $0x5FFFF;
	_ =	strace $0x90000049  }
0x2a: {  	s29 =	simm.s32 $0x9;
	_ =	strace $0x8000004B  }
0x2b: {  	_ =	swait.ge [sflag:s29], $0x1  }
0x2c: {  	[sflag:s29] =	ssyncadd.s32 $0xFFFFFFFF  }
0x2d: {  	_ =	strace $0x9000004B  }
0x2e: {  	_ =	sfence  }
0x2f: {  	s30 =	sld [smem:$0x0];
	_ =	sdelay $0x2  }
0x30: {  	s31 =	sshll.u32 s1, $0xD;
	s1 =	sshrl.u32 s1, $0x2  }
0x31: {  	s3 =	sand.u32 $0x4000, s31;
	s1 =	sadd.s32 s1, s30  }
0x32: {  	s0 =	sor.u32 s3, s0;
	s1 =	sshll.u32 s1, $0x11  }
0x33: {  	s0 =	sor.u32 s1, s0  }
0x34: {  	s0 =	sadd.s32 $0x8F2B, s0  }
0x35: {  	[sflag:s0] =	ssyncadd.remote.s32 $0x1  }
0x36: {  	_ =	sfence.sel $0xFFFF  }
0x37: {  	[dreg:$0x0] =	wrdreg $0xFFFFFFFF;
	(pc) =	sbr.abs _section_cstart, $3  }
0x38: {  	[dreg:$0x1] =	wrdreg $0xFFFFFFFF  }
0x39: {  	_ =	task.clear_ibuf [dreg:s7], $0x2FFFF;
	_ =	strace $0x9FFFFFFF  }
0x3a: {  	(tm) =	ssettm $0x7FFFFFFF  }
0x3b: {  	_ =	shalt  }
tec
execute0_lowered:
.L_overlay_start_1:
0x0: {  	(tag) =	ssettag $0x1  }
0x1: {  	s3 =	rddreg [dreg:$0x0]  }
0x2: {  	s2 =	rddreg [dreg:$0x1]  }
0x3: {  	s1 =	srdreg.scid;
	s0 =	rddreg [dreg:$0x2];
	_ =	strace $0x8000004A  }
0x4: {  	s7 =	simm.s32 $0x2;
	s15 =	simm.s32 $0x0;
	p0 =	por $0x0, $0x0  }
0x5: {  	s16 =	simm.s32 $0x0;
	s17 =	simm.s32 $0x0;
	s8 =	simm.s32 $0x0  }
0x6: {  	s10 =	simm.s32 $0x0;
	s11 =	simm.s32 $0x0;
	s12 =	simm.s32 $0x0  }
.Ltmp0:
0x7: {  	s9 =	simm.s32 $0x0;
	s4 =	sshll.u32 s1, $0x4;
	(pc) =	sbr.rel .LBB1_1-.Ltmp0, $4  }
0x8: {  	s1 =	stileid.u32;
	s3 =	sadd.s32 $0x1801400, s3;
	s4 =	sand.u32 $0x10, s4  }
0x9: {  	s5 =	sand.u32 $0x7, s1;
	s6 =	sor.u32 s1, s4;
	s4 =	simm.s32 $0x1  }
0xa: {  	s14 =	smov.u32 s5;
	[sflag:s4] =	ssyncpa.u1 $0x0;
	s6 =	sshrl.u32 s6, $0x3  }
0xb: {  	[sflag:s7] =	ssyncpa.u1 $0x0;
	s7 =	simm.s32 $0x1000;
	s13 =	smov.u32 s6  }
.LBB1_5:
0xc: {  	p1 =	slt.u32 s9, $0x2;
	s18 =	smov.u32 s17  }
0xd: {  	p2 =	sgt.s32 @!p1 s17, $0x7;
	s19 =	sshra.s32 @!p1 s17, $0x1F;
	s20 =	sshra.s32 @!p1 s16, $0x1F  }
0xe: {  	p2 =	por !p2, p1;
	s17 =	sand.u32 @!p1 s19, s17;
	s19 =	smov.u32 s16  }
0xf: {  	s18 =	simm.s32 @p2 $0x7;
	p2 =	sgt.s32 @!p1 s16, $0x1FF;
	s16 =	sand.u32 @!p1 s20, s16  }
0x10: {  	s20 =	sshra.s32 @!p1 s15, $0x1F;
	s17 =	ssub.s32 @!p1 s18, s17;
	p3 =	por !p2, p1  }
0x11: {  	s18 =	sadd.s32 @!p1 $0xFFFFFFF9, s17;
	s19 =	simm.s32 @p3 $0x1FF;
	s17 =	ssub.s32 @!p1 $0x8, s17  }
0x12: {  	p3 =	sgt.s32 @!p1 s15, $0x180;
	p2 =	sgt.s32 @!p1 s18, $0x0;
	s16 =	ssub.s32 @!p1 s19, s16  }
0x13: {  	p3 =	por !p3, p1;
	s19 =	smov.u32 s15;
	s15 =	sand.u32 @!p1 s20, s15  }
0x14: {  	s17 =	smul.u32 @!p1 $0x60, s17;
	s18 =	sadd.s32 @!p1 $0xFFFFFE01, s16;
	s19 =	simm.s32 @p3 $0x180  }
0x15: {  	s16 =	ssub.s32 @!p1 $0x200, s16;
	p3 =	sgt.s32 @!p1 s18, $0x0;
	s15 =	ssub.s32 @!p1 s19, s15  }
0x16: {  	p2 =	por !p2, p1;
	p3 =	por !p3, p1;
	s18 =	sadd.s32 @!p1 $0xFFFFFE80, s15  }
0x17: {  	s17 =	simm.s32 @!p2 $0x0;
	s16 =	simm.s32 @!p3 $0x0;
	p3 =	sgt.s32 @!p1 s18, $0x7F  }
0x18: {  	s15 =	ssub.s32 @!p1 $0x200, s15;
	p2 =	por !p3, p1;
	s16 =	smul.u32 @!p1 s16, s17  }
0x19: {  	s19 =	smov.u32 s13;
	s18 =	sadd.s32 $0x80, s12;
	s15 =	simm.s32 @!p2 $0x0  }
0x1a: {  	p2 =	sgt.s32 s18, $0x1FF;
	s15 =	smul.u32 @!p1 s15, s16;
	s16 =	sadd.s32 $0x4, s13  }
0x1b: {  	s19 =	smov.u32 @p2 s16  }
0x1c: {  	s21 =	smov.u32 s14;
	s16 =	sadd.s32 $0x8, s14;
	p3 =	sgt.s32 s19, $0x1FF  }
0x1d: {  	s9 =	sadd.s32 $0x1, s9;
	p0 =	por !p0, !p0;
	s21 =	smov.u32 @p3 s16  }
0x1e: {  	s20 =	simm.s32 @!p1 $0x2;
	s18 =	simm.s32 @p2 $0x0;
	p2 =	sgt.s32 s21, $0x7  }
0x1f: {  	s17 =	smov.u32 s11;
	s21 =	smov.u32 @p2 s5;
	p2 =	sne.s32 s9, $0x202  }
.Ltmp1:
0x20: {  	s11 =	smov.u32 s14;
	s15 =	sand.u32 @!p1 $0x3FFFFFE0, s15;
	(pc) =	sbr.rel @!p2 .LBB1_6-.Ltmp1, $4  }
0x21: {  	_ =	swait.ge @!p1 [sflag:s20], s15;
	s22 =	ssub.s32 @!p1 $0x0, s15;
	s15 =	smov.u32 s8  }
0x22: {  	s16 =	smov.u32 s10;
	s19 =	smov.u32 @p3 s6;
	s8 =	smov.u32 s12  }
0x23: {  	s10 =	smov.u32 s13;
	s12 =	smov.u32 s18;
	[sflag:s20] =	ssyncset.done @!p1 $0x0  }
0x24: {  	s13 =	smov.u32 s19;
	[sflag:s20] =	ssyncadd.s32 @!p1 s22;
	s14 =	smov.u32 s21  }
.LBB1_1:
0x25: {  	p1 =	sgt.u32 s9, $0x1FF  }
0x26: {  	s18 =	sxor.u32 @!p1 $0xFFFFFFFF, s9;
	s19 =	sshll.u32 @!p1 s14, $0x16  }
0x27: {  	s20 =	sshll.u32 @!p1 s13, $0xD;
	s21 =	sshll.u32 @!p1 s12, $0x4;
	s19 =	sadd.s32 @!p1 s3, s19  }
0x28: {  	s18 =	sshll.u32 @!p1 s18, $0xE;
	s21 =	sand.u32 @!p1 $0x1FF0, s21;
	s19 =	sadd.s32 @!p1 s20, s19  }
0x29: {  	s18 =	sand.u32 @!p1 $0x4000, s18;
	s20 =	simm.s32 @!p1 $0x0;
	s19 =	sadd.s32 @!p1 s21, s19  }
0x2a: {  	[tilespmem:s18], [sflag:$0x1] =	stream.linear.gather @!p1 [hbm4b:s19+s20], $0x4000, $0x38;
	[tilespmem:$0x10100] =	vst v63  }
0x2b: {  	p1 =	seq.s32 s9, $0x0  }
0x2c: {  	p2 =	seq.s32 @!p1 s9, $0x201  }
0x2d: {  	p1 =	por p1, p2  }
.Ltmp2:
0x2e: {  	_ = 	snop;
	(pc) =	sbr.rel @p1 .LBB1_5-.Ltmp2, $1  }
0x2f: {  	_ =	sdelay $0x3  }
0x30: {  	s18 =	simm.s32 $0x1  }
0x31: {  	_ =	swait.ge [sflag:s4], $0x4000;
	s18 =	simm.s32 @!p0 $0x0  }
0x32: {  	[sflag:s4] =	ssyncset.done $0x0;
	s19 =	sshll.u32 s18, $0xE  }
0x33: {  	[sflag:s4] =	ssyncadd.s32 $0xFFFFC000;
	s19 =	sor.u32 $0x40, s19  }
0x34: {  	s18 =	smul.u32 $0x10200, s18;
	v0 =	vld [tilespmem:s19+$0x30]  }
0x35: {  	v1 =	vld [tilespmem:s19+$0xFFFFFFD0]  }
0x36: {  	s18 =	sshrl.u32 s18, $0x2;
	v5 =	vld [tilespmem:s19+$0xFFFFFFE0]  }
0x37: {  	v6 =	vld [tilespmem:s19+$0xFFFFFFF0];
	s21 =	sor.u32 $0x8000, s18  }
0x38: {  	s31 =	sand.u32 $0x1, s9;
	v4 =	vld [tilespmem:s19+$0x0];
	s20 =	sadd.s32 $0x0, s21  }
0x39: {  	v3 =	vld [tilespmem:s19+$0x10];
	s18 =	smul.u32 $0x10200, s31;
	[tilespmem:s20+$0x3870 ss:$0x81] =	vst.msk $0xffff, v0  }
0x3a: {  	v2 =	vld [tilespmem:s19+$0x20];
	[tilespmem:s20+$0x810 ss:$0x81] =	vst.msk $0xffff, v1  }
0x3b: {  	s18 =	sshrl.u32 s18, $0x2;
	v1 =	vld [tilespmem:s19+$0xFFFFFFC0];
	[tilespmem:s20+$0x1020 ss:$0x81] =	vst.msk $0xffff, v5;
	s19 =	sadd.s32 $0x80, s19  }
0x3c: {  	s22 =	simm.s32 $0x4;
	s23 =	simm.s32 $0x8;
	s18 =	sor.u32 $0x8000, s18;
	[tilespmem:s20+$0x1830 ss:$0x81] =	vst.msk $0xffff, v6;
	v0 =	vld [tilespmem:s19+$0x30]  }
.LBB1_3:
0x3d: {  	p1 =	sne.s32 s23, $0x1FC;
	v5 =	vld [tilespmem:s19+$0xFFFFFFD0];
	[tilespmem:s20+$0x2040 ss:$0x81] =	vst.msk $0xffff, v4  }
0x3e: {  	v6 =	vld [tilespmem:s19+$0xFFFFFFE0];
	[tilespmem:s20+$0x2850 ss:$0x81] =	vst.msk $0xffff, v3  }
0x3f: {  	s24 =	sshra.s32 s22, $0x2;
	s22 =	smov.u32 s23;
	v7 =	vld [tilespmem:s19+$0xFFFFFFF0];
	[tilespmem:s20+$0x3060 ss:$0x81] =	vst.msk $0xffff, v2  }
.Ltmp3:
0x40: {  	v4 =	vld [tilespmem:s19+$0x0];
	[tilespmem:s20+$0x0 ss:$0x81] =	vst.msk $0xffff, v1;
	s20 =	sadd.s32 s24, s21;
	(pc) =	sbr.rel @p1 .LBB1_3-.Ltmp3, $4  }
0x41: {  	v3 =	vld [tilespmem:s19+$0x10];
	[tilespmem:s20+$0x3870 ss:$0x81] =	vst.msk $0xffff, v0  }
0x42: {  	[tilespmem:s20+$0x810 ss:$0x81] =	vst.msk $0xffff, v5;
	v2 =	vld [tilespmem:s19+$0x20]  }
0x43: {  	v1 =	vld [tilespmem:s19+$0xFFFFFFC0];
	[tilespmem:s20+$0x1020 ss:$0x81] =	vst.msk $0xffff, v6;
	s19 =	sadd.s32 $0x80, s19  }
0x44: {  	s23 =	sadd.s32 $0x4, s23;
	v0 =	vld [tilespmem:s19+$0x30];
	[tilespmem:s20+$0x1830 ss:$0x81] =	vst.msk $0xffff, v7  }
0x45: {  	s22 =	sshra.s32 s22, $0x2;
	s30 =	sshrl.u32 s8, $0x6;
	p1 =	sgt.s32 s11, $0x7  }
0x46: {  	s23 =	smov.u32 s11;
	s24 =	sshra.s32 s11, $0x1F;
	s26 =	sshra.s32 s10, $0x1F  }
0x47: {  	p2 =	sgt.s32 s8, $0x180;
	s28 =	sshra.s32 s8, $0x1F;
	s21 =	sadd.s32 s22, s21  }
0x48: {  	s22 =	sand.u32 $0x7FFFFE, s30;
	s23 =	simm.s32 @!p1 $0x7;
	s24 =	sand.u32 s24, s11  }
0x49: {  	p1 =	sgt.s32 s10, $0x1FF;
	s26 =	sand.u32 s26, s10;
	s30 =	sand.u32 s28, s8  }
0x4a: {  	s28 =	sshrl.u32 s8, $0x3;
	s25 =	smulhi.u32 $0x2AAAAAB, s22;
	s23 =	ssub.s32 s23, s24  }
0x4b: {  	v5 =	vld [tilespmem:s19+$0xFFFFFFD0];
	[tilespmem:s20+$0x2040 ss:$0x81] =	vst.msk $0xffff, v4;
	s24 =	smov.u32 s10;
	s27 =	sadd.s32 $0xFFFFFFF9, s23;
	s23 =	ssub.s32 $0x8, s23  }
0x4c: {  	v58 =	vld [tilespmem:s19+$0xFFFFFFE0];
	[tilespmem:s20+$0x2850 ss:$0x81] =	vst.msk $0xffff, v3;
	s24 =	simm.s32 @!p1 $0x1FF;
	p1 =	sgt.s32 s27, $0x0;
	s23 =	smul.u32 $0x60, s23  }
0x4d: {  	v59 =	vld [tilespmem:s19+$0xFFFFFFF0];
	[tilespmem:s20+$0x3060 ss:$0x81] =	vst.msk $0xffff, v2;
	s24 =	ssub.s32 s24, s26;
	s26 =	smov.u32 s8;
	s29 =	smul.u32 $0x60, s25  }
0x4e: {  	v60 =	vld [tilespmem:s19+$0x0];
	[tilespmem:s20+$0x0 ss:$0x81] =	vst.msk $0xffff, v1;
	s27 =	smul.u32 $0x1800, s10;
	s31 =	sadd.s32 $0xFFFFFE01, s24;
	s26 =	simm.s32 @!p2 $0x180  }
0x4f: {  	v61 =	vld [tilespmem:s19+$0x10];
	[tilespmem:s21+$0x3870 ss:$0x81] =	vst.msk $0xffff, v0;
	s24 =	ssub.s32 $0x200, s24;
	p2 =	sgt.s32 s31, $0x0;
	s25 =	ssub.s32 s26, s30  }
0x50: {  	v62 =	vld [tilespmem:s19+$0x20];
	[tilespmem:s21+$0x810 ss:$0x81] =	vst.msk $0xffff, v5;
	s23 =	simm.s32 @p1 $0x0;
	s26 =	smul.u32 $0x300000, s11;
	s20 =	ssub.s32 s22, s29  }
0x51: {  	v63 =	vld [tilespmem:s19+$0xFFFFFFC0];
	[tilespmem:s21+$0x1020 ss:$0x81] =	vst.msk $0xffff, v58;
	s29 =	sand.u32 $0x7, s8;
	s24 =	simm.s32 @p2 $0x0;
	s31 =	sadd.s32 $0xFFFFFE80, s25  }
0x52: {  	[tilespmem:s21+$0x1830 ss:$0x81] =	vst.msk $0xffff, v59;
	s19 =	ssub.s32 $0x200, s25;
	s23 =	smul.u32 s24, s23;
	p1 =	sgt.s32 s31, $0x7F  }
.Ltmp4:
0x53: {  	[tilespmem:s21+$0x2040 ss:$0x81] =	vst.msk $0xffff, v60;
	s24 =	sadd.s32 s2, s26;
	s19 =	simm.s32 @p1 $0x0;
	(pc) =	sbr.rel .LBB1_5-.Ltmp4, $4  }
0x54: {  	[tilespmem:s21+$0x2850 ss:$0x81] =	vst.msk $0xffff, v61;
	s22 =	sadd.s32 s27, s24;
	s19 =	smul.u32 s19, s23;
	s23 =	sand.u32 $0xF, s28  }
0x55: {  	[tilespmem:s21+$0x3060 ss:$0x81] =	vst.msk $0xffff, v62;
	s20 =	sshll.u32 s20, $0x6;
	s30 =	sshll.u32 s29, $0x12;
	s22 =	sadd.s32 s23, s22  }
0x56: {  	[tilespmem:s21+$0x0 ss:$0x81] =	vst.msk $0xffff, v63;
	s31 =	sor.u32 $0x400, s30;
	s19 =	sand.u32 $0x3FFFFFE0, s19;
	s20 =	sadd.s32 s20, s22  }
0x57: {  	[hbm4b:s20+s31] =	stream.strided.scatter [tilespmem:s18], [sflag:$0x2], s19, s7, s31, $0x20;
	[tilespmem:$0x10100] =	vst v63  }
.LBB1_6:
0x58: {  	_ =	sfence.sel $0x180000  }
0x59: {  	s2 =	simm.s32 $0x1;
	[bflag:$0x0] =	sbarrier.arrive $0xFFFF  }
0x5a: {  	s31 =	simm.s32 $0x2;
	[sflag:s2] =	ssyncpa.u1 $0x1  }
0x5b: {  	[sflag:s31] =	ssyncpa.u1 $0x1  }
0x5c: {  	p0 =	sne.s32 s1, $0x0;
	_ =	strace $0x9000004A  }
0x5d: {  	s0 =	sadd.s32 @!p0 $0x100000, s0;
	[bflag:$0x2] =	sbarrier.arrive $0xFFFF  }
0x5e: {  	[sflag:s0] =	ssyncadd.tile.s32 @!p0 $0x1;
	_ =	shalt  }
.Lfunc_end1:
_tile_overlayer_lowered:
.L_overlay_start_2:
0x5f: {  	(tag) =	ssettag $0x2  }
0x60: {  	s0 =	rddreg [dreg:$0x0];
	s2 =	stileid.u32  }
0x61: {  	s1 =	rddreg [dreg:$0x1];
	p0 =	sne.s32 s2, $0x0  }
0x62: {  	s3 =	rddreg [dreg:$0x2];
	[bflag:$0x3] =	sbarrier.arrive $0xFFFF;
	s2 =	simm.s32 @!p0 $0x1C01  }
0x63: {  	[timem:s3], [sflag:s2] =	dma.local @!p0 [hbm:s0], s1  }
0x64: {  	s0 =	simm.s32 @!p0 $0x1  }
0x65: {  	_ =	swait.ge @!p0 [sflag:s0], s1  }
0x66: {  	s1 =	ssub.s32 @!p0 $0x0, s1;
	[sflag:s0] =	ssyncset.done @!p0 $0x0  }
0x67: {  	[sflag:s0] =	ssyncadd.s32 @!p0 s1  }
0x68: {  	[bflag:$0x3] =	sbarrier.arrive $0xFFFF  }
0x69: {  	_ =	shalt  }

</sc_bundles>
